<compile_context>
chip_gen: v7x
topology: tpu7x:2x2x1
jax: 0.10.2.dev20260603
libtpu: 0.0.44.dev20260713+nightly
codegen_flags: <defaults>
</compile_context>

<pallas_src>
import functools
import jax
import jax.numpy as jnp
from jax import lax
from jax.experimental import pallas as pl
from jax.experimental.pallas import tpu as pltpu
from jax.experimental.pallas import tpu_sc as plsc

NC = 2
NS = 16
NW = NC * NS
EB = 128
F = 128

TC_BLK = 512
N_PAD = 10240
RPS = N_PAD // NS



def _spmm_body(u_hbm, src_hbm, dst_hbm, zeros_hbm, out_hbm,
               idx_s, idx_d, rows, sem, isem, acc):
    c = lax.axis_index("c")
    s = lax.axis_index("s")
    wid = s * NC + c
    nblk = src_hbm.shape[1]

    pltpu.sync_copy(zeros_hbm.at[pl.ds(s * RPS, RPS)],
                    acc.at[pl.ds(s * RPS, RPS)])
    pltpu.sync_copy(src_hbm.at[wid], idx_s)
    pltpu.sync_copy(dst_hbm.at[wid, 0], idx_d.at[0])
    plsc.subcore_barrier()

    pltpu.async_copy(u_hbm.at[idx_s.at[0]], rows.at[0], sem)

    def body(j, carry):
        p = jnp.bitwise_and(j, 1)
        pltpu.make_async_copy(u_hbm.at[idx_s.at[j]], rows.at[p], sem).wait()

        @pl.when(j + 1 < nblk)
        def _():
            pltpu.async_copy(u_hbm.at[idx_s.at[j + 1]], rows.at[1 - p], sem)

        @pl.when(j > 0)
        def _():
            pltpu.make_async_copy(dst_hbm.at[wid, j], idx_d.at[p], isem).wait()

        @pl.when(j + 1 < nblk)
        def _():
            pltpu.async_copy(dst_hbm.at[wid, j + 1], idx_d.at[1 - p], isem)

        pltpu.sync_copy(rows.at[p], acc.at[idx_d.at[p]], add=True)
        return carry

    lax.fori_loop(0, nblk, body, 0)
    plsc.subcore_barrier()
    pltpu.sync_copy(acc.at[pl.ds(s * RPS, RPS)],
                    out_hbm.at[c, pl.ds(s * RPS, RPS)])


def _make_spmm(nblk):
    return pl.kernel(
        _spmm_body,
        out_type=jax.ShapeDtypeStruct((NC, N_PAD, F), jnp.float32),
        mesh=plsc.VectorSubcoreMesh(core_axis_name="c", subcore_axis_name="s",
                                 num_cores=NC, num_subcores=NS),
        scratch_types=[
            pltpu.VMEM((nblk, EB), jnp.int32),
            pltpu.VMEM((2, EB), jnp.int32),
            pltpu.VMEM((2, EB, F), jnp.float32),
            pltpu.SemaphoreType.DMA,
            pltpu.SemaphoreType.DMA,
            pltpu.VMEM_SHARED((N_PAD, F), jnp.float32),
        ],
    )


def _deg_body(src_hbm, dst_hbm, zeros_hbm, ones_hbm, out_hbm,
              idx, ones_v, acc):
    c = lax.axis_index("c")
    s = lax.axis_index("s")
    nblk = src_hbm.shape[1]

    pltpu.sync_copy(zeros_hbm.at[pl.ds(s * RPS, RPS)],
                    acc.at[pl.ds(s * RPS, RPS)])
    pltpu.sync_copy(ones_hbm, ones_v)

    @pl.when(c == 0)
    def _():
        pltpu.sync_copy(src_hbm.at[2 * s], idx.at[pl.ds(0, nblk)])
        pltpu.sync_copy(src_hbm.at[2 * s + 1], idx.at[pl.ds(nblk, nblk)])

    @pl.when(c == 1)
    def _():
        pltpu.sync_copy(dst_hbm.at[2 * s], idx.at[pl.ds(0, nblk)])
        pltpu.sync_copy(dst_hbm.at[2 * s + 1], idx.at[pl.ds(nblk, nblk)])

    plsc.subcore_barrier()

    def body(j, carry):
        pltpu.sync_copy(ones_v, acc.at[idx.at[j]], add=True)
        return carry

    lax.fori_loop(0, 2 * nblk, body, 0)
    plsc.subcore_barrier()
    pltpu.sync_copy(acc.at[pl.ds(s * RPS, RPS)],
                    out_hbm.at[c, pl.ds(s * RPS, RPS)])


def _make_deg(nblk):
    return pl.kernel(
        _deg_body,
        out_type=jax.ShapeDtypeStruct((NC, N_PAD, F), jnp.float32),
        mesh=plsc.VectorSubcoreMesh(core_axis_name="c", subcore_axis_name="s",
                                 num_cores=NC, num_subcores=NS),
        scratch_types=[
            pltpu.VMEM((2 * nblk, EB), jnp.int32),
            pltpu.VMEM((EB, F), jnp.float32),
            pltpu.VMEM_SHARED((N_PAD, F), jnp.float32),
        ],
    )



def _dinv(deg_blk, kind):
    d = deg_blk[kind, :, 0]
    return (1.0 / jnp.sqrt(jnp.maximum(d, 1.0)))[:, None]


def _prep_body(x_ref, w_ref, deg_ref, s_out, u1_out):
    sval = lax.dot_general(x_ref[...], w_ref[...], (((1,), (0,)), ((), ())),
                           precision=lax.Precision.HIGHEST,
                           preferred_element_type=jnp.float32)
    s_out[...] = sval
    u1_out[...] = (4.0 * sval[:, 2 * F:3 * F]) * _dinv(deg_ref[...], 0)


def _combine_body(s_ref, p_ref, deg_ref, u_out, *, a, ca, b, cb):
    deg = deg_ref[...]
    w = -_dinv(deg, 1) * (p_ref[0] + p_ref[1])
    t = a * s_ref[:, ca:ca + F] + w
    if b != 0.0:
        t = t + b * s_ref[:, cb:cb + F]
    u_out[...] = _dinv(deg, 0) * t


def _final_body(s_ref, p_ref, deg_ref, bias_ref, o_ref):
    w = -_dinv(deg_ref[...], 1) * (p_ref[0] + p_ref[1])
    o_ref[...] = w - s_ref[:, F:2 * F] + bias_ref[...]


_GRID = N_PAD // TC_BLK

_deg_spec = pl.BlockSpec((2, TC_BLK, F), lambda i: (0, i, 0))
_s_spec = pl.BlockSpec((TC_BLK, 3 * F), lambda i: (i, 0))
_p_spec = pl.BlockSpec((NC, TC_BLK, F), lambda i: (0, i, 0))
_u_spec = pl.BlockSpec((TC_BLK, F), lambda i: (i, 0))

_prep = pl.pallas_call(
    _prep_body,
    grid=(_GRID,),
    in_specs=[_u_spec,
              pl.BlockSpec((F, 3 * F), lambda i: (0, 0)),
              _deg_spec],
    out_specs=[_s_spec, _u_spec],
    out_shape=[jax.ShapeDtypeStruct((N_PAD, 3 * F), jnp.float32),
               jax.ShapeDtypeStruct((N_PAD, F), jnp.float32)],
)


def _make_combine(a, ca, b, cb):
    return pl.pallas_call(
        functools.partial(_combine_body, a=a, ca=ca, b=b, cb=cb),
        grid=(_GRID,),
        in_specs=[_s_spec, _p_spec, _deg_spec],
        out_specs=_u_spec,
        out_shape=jax.ShapeDtypeStruct((N_PAD, F), jnp.float32),
    )


_combine2 = _make_combine(2.0, F, 0.0, 0)
_combine3 = _make_combine(1.0, 0, -3.0, 2 * F)

_final = pl.pallas_call(
    _final_body,
    grid=(_GRID,),
    in_specs=[_s_spec, _p_spec, _deg_spec,
              pl.BlockSpec((1, F), lambda i: (0, 0))],
    out_specs=_u_spec,
    out_shape=jax.ShapeDtypeStruct((N_PAD, F), jnp.float32),
)



def kernel(x, edge_index, weight, bias):
    n, f_in = x.shape
    e = edge_index.shape[1]
    nblk = -(-e // (NW * EB))
    e_pad = NW * nblk * EB

    pad = jnp.full((e_pad - e,), n, dtype=jnp.int32)
    src3 = jnp.concatenate([edge_index[0], pad]).reshape(NW, nblk, EB)
    dst3 = jnp.concatenate([edge_index[1], pad]).reshape(NW, nblk, EB)

    x_pad = jnp.concatenate(
        [x, jnp.zeros((N_PAD - n, f_in), jnp.float32)], axis=0)
    wcat = jnp.concatenate([weight[0], weight[1], weight[2]], axis=1)

    z128 = jnp.zeros((N_PAD, F), jnp.float32)
    o128 = jnp.ones((EB, F), jnp.float32)

    deg = _make_deg(nblk)(src3, dst3, z128, o128)
    s_mat, u1 = _prep(x_pad, wcat, deg)

    spmm = _make_spmm(nblk)
    p1 = spmm(u1, src3, dst3, z128)
    u2 = _combine2(s_mat, p1, deg)
    p2 = spmm(u2, src3, dst3, z128)
    u3 = _combine3(s_mat, p2, deg)
    p3 = spmm(u3, src3, dst3, z128)

    out = _final(s_mat, p3, deg, bias.reshape(1, F))
    return out[:n]

# --- scband reference (transcript-rebuilt; emitter-appended) ---
"""Pipeline reference for scband-my-graph-convolution-88545045774865 (READ-ONLY COPY).

The authoritative reference and input builder live on the scoring server;
editing this copy changes nothing except your own understanding.
"""

import jax, jax.numpy as jnp
import numpy as np

N = 10000
E = 320000
F_IN = 128
F_OUT = 128
K = 3


def setup_inputs(seed: int = 0) -> dict:
    key = jax.random.key(seed)
    k1, k2, k3, k4 = jax.random.split(key, 4)
    x = jax.random.normal(k1, (N, F_IN), dtype=jnp.float32)
    edge_index = jax.random.randint(k2, (2, E), 0, N, dtype=jnp.int32)
    # learned parameters sized per init_kwargs (torch.rand -> uniform[0,1))
    weight = jax.random.uniform(k3, (K, F_IN, F_OUT), dtype=jnp.float32)
    bias = jax.random.uniform(k4, (F_OUT,), dtype=jnp.float32)
    return {"x": x, "edge_index": edge_index, "weight": weight, "bias": bias}


def reference(x, edge_index, weight, bias):
    n = x.shape[0]
    k_order = weight.shape[0]
    src = edge_index[0]
    dst = edge_index[1]
    ones = jnp.ones(src.shape[0], dtype=x.dtype)
    deg_out = jnp.clip(jax.ops.segment_sum(ones, src, num_segments=n), 1.0, None)
    deg_in = jnp.clip(jax.ops.segment_sum(ones, dst, num_segments=n), 1.0, None)
    vals = 1.0 / jnp.sqrt(deg_out[src] * deg_in[dst])

    def lmv(v):
        # scaled Laplacian with lambda_max=2: L_tilde = L - I = -D^{-1/2} A D^{-1/2}
        msg = v[src] * vals[:, None]
        return -jax.ops.segment_sum(msg, dst, num_segments=n)

    # output = sum_{i=1..K} T_i(L_tilde) @ (x @ W[i-1]), matrix-free Chebyshev recursion
    output = jnp.zeros((n, weight.shape[2]), dtype=x.dtype)
    for i in range(1, k_order + 1):
        support = x @ weight[i - 1]
        t_prev = support           # T_0 @ support
        t_curr = lmv(support)      # T_1 @ support
        for _ in range(i - 1):
            t_next = 2.0 * lmv(t_curr) - t_prev
            t_prev, t_curr = t_curr, t_next
        output = output + t_curr
    return output + bias

if __name__ == "__main__":
    import jax
    _d = setup_inputs()
    print(jax.jit(kernel)(*tuple(_d.values())))

</pallas_src>

<mosaic_0001>
#map = affine_map<(d0, d1) -> (0, 0)>
#map1 = affine_map<(d0, d1) -> (0, 0, 0)>
module attributes {stable_mosaic.version = 14 : i64} {
  func.func @_spmm_body(%arg0: i32, %arg1: i32, %arg2: memref<10240x128xf32, #tpu.memory_space<hbm>>, %arg3: memref<32x79x128xi32, #tpu.memory_space<hbm>>, %arg4: memref<32x79x128xi32, #tpu.memory_space<hbm>>, %arg5: memref<10240x128xf32, #tpu.memory_space<hbm>>, %arg6: memref<2x10240x128xf32, #tpu.memory_space<hbm>>, %arg7: memref<79x128xi32, #tpu.memory_space<vmem>>, %arg8: memref<2x128xi32, #tpu.memory_space<vmem>>, %arg9: memref<2x128x128xf32, #tpu.memory_space<vmem>>, %arg10: memref<!tpu.dma_semaphore, #tpu.memory_space<semaphore_mem>>, %arg11: memref<!tpu.dma_semaphore, #tpu.memory_space<semaphore_mem>>, %arg12: memref<10240x128xf32, #tpu.memory_space<vmem_shared>>) attributes {dimension_semantics = [#tpu.dimension_semantics<core_parallel>, #tpu.dimension_semantics<subcore_parallel>], iteration_bounds = array<i64: 2, 16>, scalar_prefetch = 0 : i64, scratch_operands = 6 : i64, tpu.core_type = #tpu.core_type<sc_vector_subcore>, window_params = [{transform_indices = #map}, {transform_indices = #map1}, {transform_indices = #map1}, {transform_indices = #map}, {transform_indices = #map1}]} {
    %mul3A = arith.constant 2 : i32
    %mul3A_0 = arith.muli %arg1, %mul3A : i32
    %add3A = arith.addi %mul3A_0, %arg0 : i32
    %mul3A_1 = arith.constant 640 : i32
    %mul3A_2 = arith.muli %arg1, %mul3A_1 : i32
    %mul3A_3 = arith.constant 640 : i32
    %mul3A_4 = arith.muli %arg1, %mul3A_3 : i32
    "tpu.region"() ({
      %run_scoped3A_27 = tpu.sem_alloc : memref<!tpu.dma_semaphore, #tpu.memory_space<semaphore_mem>>
      %dma_start3A_28 = arith.constant 0 : i32
      %dma_start3A_29 = tpu.memref_slice %arg12[%mul3A_4, %dma_start3A_28] : memref<10240x128xf32, #tpu.memory_space<vmem_shared>> -> memref<640x128xf32, #tpu.memory_space<vmem_shared>>
      %dma_start3A_30 = arith.constant 0 : i32
      %dma_start3A_31 = tpu.memref_slice %arg5[%mul3A_2, %dma_start3A_30] : memref<10240x128xf32, #tpu.memory_space<hbm>> -> memref<640x128xf32, #tpu.memory_space<hbm>>
      tpu.enqueue_dma source(%dma_start3A_31 : memref<640x128xf32, #tpu.memory_space<hbm>>) target(%dma_start3A_29 : memref<640x128xf32, #tpu.memory_space<vmem_shared>>) target_semaphore(%run_scoped3A_27 : memref<!tpu.dma_semaphore, #tpu.memory_space<semaphore_mem>>)
      %dma_wait3A = arith.constant 0 : i32
      %dma_wait3A_32 = tpu.memref_slice %arg12[%mul3A_4, %dma_wait3A] : memref<10240x128xf32, #tpu.memory_space<vmem_shared>> -> memref<640x128xf32, #tpu.memory_space<vmem_shared>>
      %dma_wait3A_33 = arith.constant 0 : i32
      %dma_wait3A_34 = tpu.memref_slice %arg5[%mul3A_2, %dma_wait3A_33] : memref<10240x128xf32, #tpu.memory_space<hbm>> -> memref<640x128xf32, #tpu.memory_space<hbm>>
      tpu.wait_dma2 semaphore(%run_scoped3A_27 : memref<!tpu.dma_semaphore, #tpu.memory_space<semaphore_mem>>) src(%dma_wait3A_34 : memref<640x128xf32, #tpu.memory_space<hbm>>) dst(%dma_wait3A_32 : memref<640x128xf32, #tpu.memory_space<vmem_shared>>)
      tpu.yield
    }) : () -> ()
    "tpu.region"() ({
      %run_scoped3A_27 = tpu.sem_alloc : memref<!tpu.dma_semaphore, #tpu.memory_space<semaphore_mem>>
      %dma_start3A_28 = arith.constant 0 : i32
      %dma_start3A_29 = arith.constant 0 : i32
      %dma_start3A_30 = tpu.memref_slice %arg3[%add3A, %dma_start3A_28, %dma_start3A_29] : memref<32x79x128xi32, #tpu.memory_space<hbm>> -> memref<1x79x128xi32, #tpu.memory_space<hbm>>
      %dma_start3A_31 = tpu.memref_squeeze %dma_start3A_30 : memref<1x79x128xi32, #tpu.memory_space<hbm>> -> memref<79x128xi32, #tpu.memory_space<hbm>>
      %dma_start3A_32 = arith.constant 0 : i32
      %dma_start3A_33 = arith.constant 0 : i32
      %dma_start3A_34 = tpu.memref_slice %arg3[%add3A, %dma_start3A_32, %dma_start3A_33] : memref<32x79x128xi32, #tpu.memory_space<hbm>> -> memref<1x79x128xi32, #tpu.memory_space<hbm>>
      %dma_start3A_35 = tpu.memref_squeeze %dma_start3A_34 : memref<1x79x128xi32, #tpu.memory_space<hbm>> -> memref<79x128xi32, #tpu.memory_space<hbm>>
      tpu.enqueue_dma source(%dma_start3A_35 : memref<79x128xi32, #tpu.memory_space<hbm>>) target(%arg7 : memref<79x128xi32, #tpu.memory_space<vmem>>) target_semaphore(%run_scoped3A_27 : memref<!tpu.dma_semaphore, #tpu.memory_space<semaphore_mem>>)
      %dma_wait3A = arith.constant 0 : i32
      %dma_wait3A_36 = arith.constant 0 : i32
      %dma_wait3A_37 = tpu.memref_slice %arg3[%add3A, %dma_wait3A, %dma_wait3A_36] : memref<32x79x128xi32, #tpu.memory_space<hbm>> -> memref<1x79x128xi32, #tpu.memory_space<hbm>>
      %dma_wait3A_38 = tpu.memref_squeeze %dma_wait3A_37 : memref<1x79x128xi32, #tpu.memory_space<hbm>> -> memref<79x128xi32, #tpu.memory_space<hbm>>
      %dma_wait3A_39 = arith.constant 0 : i32
      %dma_wait3A_40 = arith.constant 0 : i32
      %dma_wait3A_41 = tpu.memref_slice %arg3[%add3A, %dma_wait3A_39, %dma_wait3A_40] : memref<32x79x128xi32, #tpu.memory_space<hbm>> -> memref<1x79x128xi32, #tpu.memory_space<hbm>>
      %dma_wait3A_42 = tpu.memref_squeeze %dma_wait3A_41 : memref<1x79x128xi32, #tpu.memory_space<hbm>> -> memref<79x128xi32, #tpu.memory_space<hbm>>
      tpu.wait_dma2 semaphore(%run_scoped3A_27 : memref<!tpu.dma_semaphore, #tpu.memory_space<semaphore_mem>>) src(%dma_wait3A_42 : memref<79x128xi32, #tpu.memory_space<hbm>>) dst(%arg7 : memref<79x128xi32, #tpu.memory_space<vmem>>)
      tpu.yield
    }) : () -> ()
    %run_scoped3A = arith.constant 0 : i32
    %run_scoped3A_5 = arith.constant 0 : i32
    "tpu.region"() ({
      %run_scoped3A_27 = tpu.sem_alloc : memref<!tpu.dma_semaphore, #tpu.memory_space<semaphore_mem>>
      %dma_start3A_28 = arith.constant 0 : i32
      %dma_start3A_29 = tpu.memref_slice %arg8[%run_scoped3A_5, %dma_start3A_28] : memref<2x128xi32, #tpu.memory_space<vmem>> -> memref<1x128xi32, #tpu.memory_space<vmem>>
      %dma_start3A_30 = tpu.memref_squeeze %dma_start3A_29 : memref<1x128xi32, #tpu.memory_space<vmem>> -> memref<128xi32, #tpu.memory_space<vmem>>
      %dma_start3A_31 = arith.constant 0 : i32
      %dma_start3A_32 = tpu.memref_slice %arg4[%add3A, %run_scoped3A, %dma_start3A_31] : memref<32x79x128xi32, #tpu.memory_space<hbm>> -> memref<1x1x128xi32, #tpu.memory_space<hbm>>
      %dma_start3A_33 = tpu.memref_squeeze %dma_start3A_32 : memref<1x1x128xi32, #tpu.memory_space<hbm>> -> memref<128xi32, #tpu.memory_space<hbm>>
      %dma_start3A_34 = arith.constant 0 : i32
      %dma_start3A_35 = tpu.memref_slice %arg8[%run_scoped3A_5, %dma_start3A_34] : memref<2x128xi32, #tpu.memory_space<vmem>> -> memref<1x128xi32, #tpu.memory_space<vmem>>
      %dma_start3A_36 = tpu.memref_squeeze %dma_start3A_35 : memref<1x128xi32, #tpu.memory_space<vmem>> -> memref<128xi32, #tpu.memory_space<vmem>>
      %dma_start3A_37 = arith.constant 0 : i32
      %dma_start3A_38 = tpu.memref_slice %arg4[%add3A, %run_scoped3A, %dma_start3A_37] : memref<32x79x128xi32, #tpu.memory_space<hbm>> -> memref<1x1x128xi32, #tpu.memory_space<hbm>>
      %dma_start3A_39 = tpu.memref_squeeze %dma_start3A_38 : memref<1x1x128xi32, #tpu.memory_space<hbm>> -> memref<128xi32, #tpu.memory_space<hbm>>
      tpu.enqueue_dma source(%dma_start3A_39 : memref<128xi32, #tpu.memory_space<hbm>>) target(%dma_start3A_36 : memref<128xi32, #tpu.memory_space<vmem>>) target_semaphore(%run_scoped3A_27 : memref<!tpu.dma_semaphore, #tpu.memory_space<semaphore_mem>>)
      %dma_wait3A = arith.constant 0 : i32
      %dma_wait3A_40 = tpu.memref_slice %arg8[%run_scoped3A_5, %dma_wait3A] : memref<2x128xi32, #tpu.memory_space<vmem>> -> memref<1x128xi32, #tpu.memory_space<vmem>>
      %dma_wait3A_41 = tpu.memref_squeeze %dma_wait3A_40 : memref<1x128xi32, #tpu.memory_space<vmem>> -> memref<128xi32, #tpu.memory_space<vmem>>
      %dma_wait3A_42 = arith.constant 0 : i32
      %dma_wait3A_43 = tpu.memref_slice %arg4[%add3A, %run_scoped3A, %dma_wait3A_42] : memref<32x79x128xi32, #tpu.memory_space<hbm>> -> memref<1x1x128xi32, #tpu.memory_space<hbm>>
      %dma_wait3A_44 = tpu.memref_squeeze %dma_wait3A_43 : memref<1x1x128xi32, #tpu.memory_space<hbm>> -> memref<128xi32, #tpu.memory_space<hbm>>
      %dma_wait3A_45 = arith.constant 0 : i32
      %dma_wait3A_46 = tpu.memref_slice %arg8[%run_scoped3A_5, %dma_wait3A_45] : memref<2x128xi32, #tpu.memory_space<vmem>> -> memref<1x128xi32, #tpu.memory_space<vmem>>
      %dma_wait3A_47 = tpu.memref_squeeze %dma_wait3A_46 : memref<1x128xi32, #tpu.memory_space<vmem>> -> memref<128xi32, #tpu.memory_space<vmem>>
      %dma_wait3A_48 = arith.constant 0 : i32
      %dma_wait3A_49 = tpu.memref_slice %arg4[%add3A, %run_scoped3A, %dma_wait3A_48] : memref<32x79x128xi32, #tpu.memory_space<hbm>> -> memref<1x1x128xi32, #tpu.memory_space<hbm>>
      %dma_wait3A_50 = tpu.memref_squeeze %dma_wait3A_49 : memref<1x1x128xi32, #tpu.memory_space<hbm>> -> memref<128xi32, #tpu.memory_space<hbm>>
      tpu.wait_dma2 semaphore(%run_scoped3A_27 : memref<!tpu.dma_semaphore, #tpu.memory_space<semaphore_mem>>) src(%dma_wait3A_50 : memref<128xi32, #tpu.memory_space<hbm>>) dst(%dma_wait3A_47 : memref<128xi32, #tpu.memory_space<vmem>>)
      tpu.yield
    }) : () -> ()
    %barrier3A = arith.constant 0 : index
    tpu.barrier barrier_id(%barrier3A)
    %dma_start3A = arith.constant 0 : i32
    %dma_start3A_6 = arith.constant 0 : i32
    %dma_start3A_7 = arith.constant 0 : i32
    %dma_start3A_8 = arith.constant 0 : i32
    %dma_start3A_9 = tpu.memref_slice %arg9[%dma_start3A_6, %dma_start3A_7, %dma_start3A_8] : memref<2x128x128xf32, #tpu.memory_space<vmem>> -> memref<1x128x128xf32, #tpu.memory_space<vmem>>
    %dma_start3A_10 = tpu.memref_squeeze %dma_start3A_9 : memref<1x128x128xf32, #tpu.memory_space<vmem>> -> memref<128x128xf32, #tpu.memory_space<vmem>>
    %dma_start3A_11 = arith.constant 0 : i32
    %dma_start3A_12 = tpu.memref_slice %arg7[%dma_start3A, %dma_start3A_11] : memref<79x128xi32, #tpu.memory_space<vmem>> -> memref<1x128xi32, #tpu.memory_space<vmem>>
    %dma_start3A_13 = tpu.memref_squeeze %dma_start3A_12 : memref<1x128xi32, #tpu.memory_space<vmem>> -> memref<128xi32, #tpu.memory_space<vmem>>
    %dma_start3A_14 = arith.constant 0 : i32
    %dma_start3A_15 = arith.constant 0 : i32
    %dma_start3A_16 = tpu.memref_slice %arg2[%dma_start3A_14, %dma_start3A_15] : memref<10240x128xf32, #tpu.memory_space<hbm>> -> memref<10240x128xf32, #tpu.memory_space<hbm>>
    tpu.enqueue_indirect_dma source(%dma_start3A_16 : memref<10240x128xf32, #tpu.memory_space<hbm>>) target(%dma_start3A_10 : memref<128x128xf32, #tpu.memory_space<vmem>>) offsets(%dma_start3A_13 : memref<128xi32, #tpu.memory_space<vmem>>) semaphore(%arg10 : memref<!tpu.dma_semaphore, #tpu.memory_space<semaphore_mem>>)
    %scan3A = arith.constant 0 : i32
    %scan3A_17 = arith.constant 0 : i32
    %scan3A_18 = arith.constant 79 : i32
    %scan3A_19 = arith.addi %scan3A_17, %scan3A_18 : i32
    %scan3A_20 = arith.constant 1 : i32
    scf.for %scan3A_27 = %scan3A_17 to %scan3A_19 step %scan3A_20  : i32 {
      %and3A = arith.constant 1 : i32
      %and3A_28 = arith.andi %scan3A_27, %and3A : i32
      %dma_wait3A = arith.constant 0 : i32
      %dma_wait3A_29 = arith.constant 0 : i32
      %dma_wait3A_30 = tpu.memref_slice %arg9[%and3A_28, %dma_wait3A, %dma_wait3A_29] : memref<2x128x128xf32, #tpu.memory_space<vmem>> -> memref<1x128x128xf32, #tpu.memory_space<vmem>>
      %dma_wait3A_31 = tpu.memref_squeeze %dma_wait3A_30 : memref<1x128x128xf32, #tpu.memory_space<vmem>> -> memref<128x128xf32, #tpu.memory_space<vmem>>
      %dma_wait3A_32 = arith.constant 0 : i32
      %dma_wait3A_33 = tpu.memref_slice %arg7[%scan3A_27, %dma_wait3A_32] : memref<79x128xi32, #tpu.memory_space<vmem>> -> memref<1x128xi32, #tpu.memory_space<vmem>>
      %dma_wait3A_34 = tpu.memref_squeeze %dma_wait3A_33 : memref<1x128xi32, #tpu.memory_space<vmem>> -> memref<128xi32, #tpu.memory_space<vmem>>
      %dma_wait3A_35 = arith.constant 0 : i32
      %dma_wait3A_36 = arith.constant 0 : i32
      %dma_wait3A_37 = tpu.memref_slice %arg2[%dma_wait3A_35, %dma_wait3A_36] : memref<10240x128xf32, #tpu.memory_space<hbm>> -> memref<10240x128xf32, #tpu.memory_space<hbm>>
      tpu.wait_indirect_dma semaphore(%arg10 : memref<!tpu.dma_semaphore, #tpu.memory_space<semaphore_mem>>) src(%dma_wait3A_37 : memref<10240x128xf32, #tpu.memory_space<hbm>>) dst(%dma_wait3A_31 : memref<128x128xf32, #tpu.memory_space<vmem>>)
      %add3A_38 = arith.constant 1 : i32
      %add3A_39 = arith.addi %scan3A_27, %add3A_38 : i32
      %lt3A = arith.constant 79 : i32
      %lt3A_40 = arith.cmpi slt, %add3A_39, %lt3A : i32
      %convert_element_type3A = arith.extui %lt3A_40 : i1 to i32
      %cond3A = arith.constant 0 : i32
      %cond3A_41 = arith.cmpi ne, %convert_element_type3A, %cond3A : i32
      scf.if %cond3A_41 {
        %add3A_53 = arith.constant 1 : i32
        %add3A_54 = arith.addi %scan3A_27, %add3A_53 : i32
        %sub3A = arith.constant 1 : i32
        %sub3A_55 = arith.subi %sub3A, %and3A_28 : i32
        %dma_start3A_56 = arith.constant 0 : i32
        %dma_start3A_57 = arith.constant 0 : i32
        %dma_start3A_58 = tpu.memref_slice %arg9[%sub3A_55, %dma_start3A_56, %dma_start3A_57] : memref<2x128x128xf32, #tpu.memory_space<vmem>> -> memref<1x128x128xf32, #tpu.memory_space<vmem>>
        %dma_start3A_59 = tpu.memref_squeeze %dma_start3A_58 : memref<1x128x128xf32, #tpu.memory_space<vmem>> -> memref<128x128xf32, #tpu.memory_space<vmem>>
        %dma_start3A_60 = arith.constant 0 : i32
        %dma_start3A_61 = tpu.memref_slice %arg7[%add3A_54, %dma_start3A_60] : memref<79x128xi32, #tpu.memory_space<vmem>> -> memref<1x128xi32, #tpu.memory_space<vmem>>
        %dma_start3A_62 = tpu.memref_squeeze %dma_start3A_61 : memref<1x128xi32, #tpu.memory_space<vmem>> -> memref<128xi32, #tpu.memory_space<vmem>>
        %dma_start3A_63 = arith.constant 0 : i32
        %dma_start3A_64 = arith.constant 0 : i32
        %dma_start3A_65 = tpu.memref_slice %arg2[%dma_start3A_63, %dma_start3A_64] : memref<10240x128xf32, #tpu.memory_space<hbm>> -> memref<10240x128xf32, #tpu.memory_space<hbm>>
        tpu.enqueue_indirect_dma source(%dma_start3A_65 : memref<10240x128xf32, #tpu.memory_space<hbm>>) target(%dma_start3A_59 : memref<128x128xf32, #tpu.memory_space<vmem>>) offsets(%dma_start3A_62 : memref<128xi32, #tpu.memory_space<vmem>>) semaphore(%arg10 : memref<!tpu.dma_semaphore, #tpu.memory_space<semaphore_mem>>)
      } else {
      }
      %gt3A = arith.constant 0 : i32
      %gt3A_42 = arith.cmpi sgt, %scan3A_27, %gt3A : i32
      %convert_element_type3A_43 = arith.extui %gt3A_42 : i1 to i32
      %cond3A_44 = arith.constant 0 : i32
      %cond3A_45 = arith.cmpi ne, %convert_element_type3A_43, %cond3A_44 : i32
      scf.if %cond3A_45 {
        %dma_wait3A_53 = arith.constant 0 : i32
        %dma_wait3A_54 = tpu.memref_slice %arg8[%and3A_28, %dma_wait3A_53] : memref<2x128xi32, #tpu.memory_space<vmem>> -> memref<1x128xi32, #tpu.memory_space<vmem>>
        %dma_wait3A_55 = tpu.memref_squeeze %dma_wait3A_54 : memref<1x128xi32, #tpu.memory_space<vmem>> -> memref<128xi32, #tpu.memory_space<vmem>>
        %dma_wait3A_56 = arith.constant 0 : i32
        %dma_wait3A_57 = tpu.memref_slice %arg4[%add3A, %scan3A_27, %dma_wait3A_56] : memref<32x79x128xi32, #tpu.memory_space<hbm>> -> memref<1x1x128xi32, #tpu.memory_space<hbm>>
        %dma_wait3A_58 = tpu.memref_squeeze %dma_wait3A_57 : memref<1x1x128xi32, #tpu.memory_space<hbm>> -> memref<128xi32, #tpu.memory_space<hbm>>
        %dma_wait3A_59 = arith.constant 0 : i32
        %dma_wait3A_60 = tpu.memref_slice %arg8[%and3A_28, %dma_wait3A_59] : memref<2x128xi32, #tpu.memory_space<vmem>> -> memref<1x128xi32, #tpu.memory_space<vmem>>
        %dma_wait3A_61 = tpu.memref_squeeze %dma_wait3A_60 : memref<1x128xi32, #tpu.memory_space<vmem>> -> memref<128xi32, #tpu.memory_space<vmem>>
        %dma_wait3A_62 = arith.constant 0 : i32
        %dma_wait3A_63 = tpu.memref_slice %arg4[%add3A, %scan3A_27, %dma_wait3A_62] : memref<32x79x128xi32, #tpu.memory_space<hbm>> -> memref<1x1x128xi32, #tpu.memory_space<hbm>>
        %dma_wait3A_64 = tpu.memref_squeeze %dma_wait3A_63 : memref<1x1x128xi32, #tpu.memory_space<hbm>> -> memref<128xi32, #tpu.memory_space<hbm>>
        tpu.wait_dma2 semaphore(%arg11 : memref<!tpu.dma_semaphore, #tpu.memory_space<semaphore_mem>>) src(%dma_wait3A_64 : memref<128xi32, #tpu.memory_space<hbm>>) dst(%dma_wait3A_61 : memref<128xi32, #tpu.memory_space<vmem>>)
      } else {
      }
      %add3A_46 = arith.constant 1 : i32
      %add3A_47 = arith.addi %scan3A_27, %add3A_46 : i32
      %lt3A_48 = arith.constant 79 : i32
      %lt3A_49 = arith.cmpi slt, %add3A_47, %lt3A_48 : i32
      %convert_element_type3A_50 = arith.extui %lt3A_49 : i1 to i32
      %cond3A_51 = arith.constant 0 : i32
      %cond3A_52 = arith.cmpi ne, %convert_element_type3A_50, %cond3A_51 : i32
      scf.if %cond3A_52 {
        %add3A_53 = arith.constant 1 : i32
        %add3A_54 = arith.addi %scan3A_27, %add3A_53 : i32
        %sub3A = arith.constant 1 : i32
        %sub3A_55 = arith.subi %sub3A, %and3A_28 : i32
        %dma_start3A_56 = arith.constant 0 : i32
        %dma_start3A_57 = tpu.memref_slice %arg8[%sub3A_55, %dma_start3A_56] : memref<2x128xi32, #tpu.memory_space<vmem>> -> memref<1x128xi32, #tpu.memory_space<vmem>>
        %dma_start3A_58 = tpu.memref_squeeze %dma_start3A_57 : memref<1x128xi32, #tpu.memory_space<vmem>> -> memref<128xi32, #tpu.memory_space<vmem>>
        %dma_start3A_59 = arith.constant 0 : i32
        %dma_start3A_60 = tpu.memref_slice %arg4[%add3A, %add3A_54, %dma_start3A_59] : memref<32x79x128xi32, #tpu.memory_space<hbm>> -> memref<1x1x128xi32, #tpu.memory_space<hbm>>
        %dma_start3A_61 = tpu.memref_squeeze %dma_start3A_60 : memref<1x1x128xi32, #tpu.memory_space<hbm>> -> memref<128xi32, #tpu.memory_space<hbm>>
        %dma_start3A_62 = arith.constant 0 : i32
        %dma_start3A_63 = tpu.memref_slice %arg8[%sub3A_55, %dma_start3A_62] : memref<2x128xi32, #tpu.memory_space<vmem>> -> memref<1x128xi32, #tpu.memory_space<vmem>>
        %dma_start3A_64 = tpu.memref_squeeze %dma_start3A_63 : memref<1x128xi32, #tpu.memory_space<vmem>> -> memref<128xi32, #tpu.memory_space<vmem>>
        %dma_start3A_65 = arith.constant 0 : i32
        %dma_start3A_66 = tpu.memref_slice %arg4[%add3A, %add3A_54, %dma_start3A_65] : memref<32x79x128xi32, #tpu.memory_space<hbm>> -> memref<1x1x128xi32, #tpu.memory_space<hbm>>
        %dma_start3A_67 = tpu.memref_squeeze %dma_start3A_66 : memref<1x1x128xi32, #tpu.memory_space<hbm>> -> memref<128xi32, #tpu.memory_space<hbm>>
        tpu.enqueue_dma source(%dma_start3A_67 : memref<128xi32, #tpu.memory_space<hbm>>) target(%dma_start3A_64 : memref<128xi32, #tpu.memory_space<vmem>>) target_semaphore(%arg11 : memref<!tpu.dma_semaphore, #tpu.memory_space<semaphore_mem>>)
      } else {
      }
      "tpu.region"() ({
        %run_scoped3A_53 = tpu.sem_alloc : memref<!tpu.dma_semaphore, #tpu.memory_space<semaphore_mem>>
        %dma_start3A_54 = arith.constant 0 : i32
        %dma_start3A_55 = arith.constant 0 : i32
        %dma_start3A_56 = tpu.memref_slice %arg9[%and3A_28, %dma_start3A_54, %dma_start3A_55] : memref<2x128x128xf32, #tpu.memory_space<vmem>> -> memref<1x128x128xf32, #tpu.memory_space<vmem>>
        %dma_start3A_57 = tpu.memref_squeeze %dma_start3A_56 : memref<1x128x128xf32, #tpu.memory_space<vmem>> -> memref<128x128xf32, #tpu.memory_space<vmem>>
        %dma_start3A_58 = arith.constant 0 : i32
        %dma_start3A_59 = tpu.memref_slice %arg8[%and3A_28, %dma_start3A_58] : memref<2x128xi32, #tpu.memory_space<vmem>> -> memref<1x128xi32, #tpu.memory_space<vmem>>
        %dma_start3A_60 = tpu.memref_squeeze %dma_start3A_59 : memref<1x128xi32, #tpu.memory_space<vmem>> -> memref<128xi32, #tpu.memory_space<vmem>>
        %dma_start3A_61 = arith.constant 0 : i32
        %dma_start3A_62 = arith.constant 0 : i32
        %dma_start3A_63 = tpu.memref_slice %arg12[%dma_start3A_61, %dma_start3A_62] : memref<10240x128xf32, #tpu.memory_space<vmem_shared>> -> memref<10240x128xf32, #tpu.memory_space<vmem_shared>>
        tpu.enqueue_indirect_dma source(%dma_start3A_57 : memref<128x128xf32, #tpu.memory_space<vmem>>) target(%dma_start3A_63 : memref<10240x128xf32, #tpu.memory_space<vmem_shared>>) offsets(%dma_start3A_60 : memref<128xi32, #tpu.memory_space<vmem>>) semaphore(%run_scoped3A_53 : memref<!tpu.dma_semaphore, #tpu.memory_space<semaphore_mem>>) {add = true}
        %dma_wait3A_64 = arith.constant 0 : i32
        %dma_wait3A_65 = arith.constant 0 : i32
        %dma_wait3A_66 = tpu.memref_slice %arg9[%and3A_28, %dma_wait3A_64, %dma_wait3A_65] : memref<2x128x128xf32, #tpu.memory_space<vmem>> -> memref<1x128x128xf32, #tpu.memory_space<vmem>>
        %dma_wait3A_67 = tpu.memref_squeeze %dma_wait3A_66 : memref<1x128x128xf32, #tpu.memory_space<vmem>> -> memref<128x128xf32, #tpu.memory_space<vmem>>
        %dma_wait3A_68 = arith.constant 0 : i32
        %dma_wait3A_69 = tpu.memref_slice %arg8[%and3A_28, %dma_wait3A_68] : memref<2x128xi32, #tpu.memory_space<vmem>> -> memref<1x128xi32, #tpu.memory_space<vmem>>
        %dma_wait3A_70 = tpu.memref_squeeze %dma_wait3A_69 : memref<1x128xi32, #tpu.memory_space<vmem>> -> memref<128xi32, #tpu.memory_space<vmem>>
        %dma_wait3A_71 = arith.constant 0 : i32
        %dma_wait3A_72 = arith.constant 0 : i32
        %dma_wait3A_73 = tpu.memref_slice %arg12[%dma_wait3A_71, %dma_wait3A_72] : memref<10240x128xf32, #tpu.memory_space<vmem_shared>> -> memref<10240x128xf32, #tpu.memory_space<vmem_shared>>
        tpu.wait_indirect_dma semaphore(%run_scoped3A_53 : memref<!tpu.dma_semaphore, #tpu.memory_space<semaphore_mem>>) src(%dma_wait3A_67 : memref<128x128xf32, #tpu.memory_space<vmem>>) dst(%dma_wait3A_73 : memref<10240x128xf32, #tpu.memory_space<vmem_shared>>)
        tpu.yield
      }) : () -> ()
    }
    %scan3A_21 = arith.constant 79 : i32
    %barrier3A_22 = arith.constant 0 : index
    tpu.barrier barrier_id(%barrier3A_22)
    %mul3A_23 = arith.constant 640 : i32
    %mul3A_24 = arith.muli %arg1, %mul3A_23 : i32
    %mul3A_25 = arith.constant 640 : i32
    %mul3A_26 = arith.muli %arg1, %mul3A_25 : i32
    "tpu.region"() ({
      %run_scoped3A_27 = tpu.sem_alloc : memref<!tpu.dma_semaphore, #tpu.memory_space<semaphore_mem>>
      %dma_start3A_28 = arith.constant 0 : i32
      %dma_start3A_29 = tpu.memref_slice %arg6[%arg0, %mul3A_26, %dma_start3A_28] : memref<2x10240x128xf32, #tpu.memory_space<hbm>> -> memref<1x640x128xf32, #tpu.memory_space<hbm>>
      %dma_start3A_30 = tpu.memref_squeeze %dma_start3A_29 : memref<1x640x128xf32, #tpu.memory_space<hbm>> -> memref<640x128xf32, #tpu.memory_space<hbm>>
      %dma_start3A_31 = arith.constant 0 : i32
      %dma_start3A_32 = tpu.memref_slice %arg12[%mul3A_24, %dma_start3A_31] : memref<10240x128xf32, #tpu.memory_space<vmem_shared>> -> memref<640x128xf32, #tpu.memory_space<vmem_shared>>
      tpu.enqueue_dma source(%dma_start3A_32 : memref<640x128xf32, #tpu.memory_space<vmem_shared>>) target(%dma_start3A_30 : memref<640x128xf32, #tpu.memory_space<hbm>>) target_semaphore(%run_scoped3A_27 : memref<!tpu.dma_semaphore, #tpu.memory_space<semaphore_mem>>)
      %dma_wait3A = arith.constant 0 : i32
      %dma_wait3A_33 = tpu.memref_slice %arg6[%arg0, %mul3A_26, %dma_wait3A] : memref<2x10240x128xf32, #tpu.memory_space<hbm>> -> memref<1x640x128xf32, #tpu.memory_space<hbm>>
      %dma_wait3A_34 = tpu.memref_squeeze %dma_wait3A_33 : memref<1x640x128xf32, #tpu.memory_space<hbm>> -> memref<640x128xf32, #tpu.memory_space<hbm>>
      %dma_wait3A_35 = arith.constant 0 : i32
      %dma_wait3A_36 = tpu.memref_slice %arg12[%mul3A_24, %dma_wait3A_35] : memref<10240x128xf32, #tpu.memory_space<vmem_shared>> -> memref<640x128xf32, #tpu.memory_space<vmem_shared>>
      tpu.wait_dma2 semaphore(%run_scoped3A_27 : memref<!tpu.dma_semaphore, #tpu.memory_space<semaphore_mem>>) src(%dma_wait3A_36 : memref<640x128xf32, #tpu.memory_space<vmem_shared>>) dst(%dma_wait3A_34 : memref<640x128xf32, #tpu.memory_space<hbm>>)
      tpu.yield
    }) : () -> ()
    return
  }
}

#map = affine_map<(d0, d1) -> (0, 0)>
#map1 = affine_map<(d0, d1) -> (0, 0, 0)>
module attributes {stable_mosaic.version = 14 : i64} {
  func.func @_spmm_body(%arg0: i32, %arg1: i32, %arg2: memref<10240x128xf32, #tpu.memory_space<hbm>>, %arg3: memref<32x79x128xi32, #tpu.memory_space<hbm>>, %arg4: memref<32x79x128xi32, #tpu.memory_space<hbm>>, %arg5: memref<10240x128xf32, #tpu.memory_space<hbm>>, %arg6: memref<2x10240x128xf32, #tpu.memory_space<hbm>>, %arg7: memref<79x128xi32, #tpu.memory_space<vmem>>, %arg8: memref<2x128xi32, #tpu.memory_space<vmem>>, %arg9: memref<2x128x128xf32, #tpu.memory_space<vmem>>, %arg10: memref<!tpu.dma_semaphore, #tpu.memory_space<semaphore_mem>>, %arg11: memref<!tpu.dma_semaphore, #tpu.memory_space<semaphore_mem>>, %arg12: memref<10240x128xf32, #tpu.memory_space<vmem_shared>>) attributes {dimension_semantics = [#tpu.dimension_semantics<core_parallel>, #tpu.dimension_semantics<subcore_parallel>], iteration_bounds = array<i64: 2, 16>, scalar_prefetch = 0 : i64, scratch_operands = 6 : i64, tpu.core_type = #tpu.core_type<sc_vector_subcore>, window_params = [{transform_indices = #map}, {transform_indices = #map1}, {transform_indices = #map1}, {transform_indices = #map}, {transform_indices = #map1}]} {
    %mul3A = arith.constant 2 : i32
    %mul3A_0 = arith.muli %arg1, %mul3A : i32
    %add3A = arith.addi %mul3A_0, %arg0 : i32
    %mul3A_1 = arith.constant 640 : i32
    %mul3A_2 = arith.muli %arg1, %mul3A_1 : i32
    %mul3A_3 = arith.constant 640 : i32
    %mul3A_4 = arith.muli %arg1, %mul3A_3 : i32
    "tpu.region"() ({
      %run_scoped3A_27 = tpu.sem_alloc : memref<!tpu.dma_semaphore, #tpu.memory_space<semaphore_mem>>
      %dma_start3A_28 = arith.constant 0 : i32
      %dma_start3A_29 = tpu.memref_slice %arg12[%mul3A_4, %dma_start3A_28] : memref<10240x128xf32, #tpu.memory_space<vmem_shared>> -> memref<640x128xf32, #tpu.memory_space<vmem_shared>>
      %dma_start3A_30 = arith.constant 0 : i32
      %dma_start3A_31 = tpu.memref_slice %arg5[%mul3A_2, %dma_start3A_30] : memref<10240x128xf32, #tpu.memory_space<hbm>> -> memref<640x128xf32, #tpu.memory_space<hbm>>
      tpu.enqueue_dma source(%dma_start3A_31 : memref<640x128xf32, #tpu.memory_space<hbm>>) target(%dma_start3A_29 : memref<640x128xf32, #tpu.memory_space<vmem_shared>>) target_semaphore(%run_scoped3A_27 : memref<!tpu.dma_semaphore, #tpu.memory_space<semaphore_mem>>)
      %dma_wait3A = arith.constant 0 : i32
      %dma_wait3A_32 = tpu.memref_slice %arg12[%mul3A_4, %dma_wait3A] : memref<10240x128xf32, #tpu.memory_space<vmem_shared>> -> memref<640x128xf32, #tpu.memory_space<vmem_shared>>
      %dma_wait3A_33 = arith.constant 0 : i32
      %dma_wait3A_34 = tpu.memref_slice %arg5[%mul3A_2, %dma_wait3A_33] : memref<10240x128xf32, #tpu.memory_space<hbm>> -> memref<640x128xf32, #tpu.memory_space<hbm>>
      tpu.wait_dma2 semaphore(%run_scoped3A_27 : memref<!tpu.dma_semaphore, #tpu.memory_space<semaphore_mem>>) src(%dma_wait3A_34 : memref<640x128xf32, #tpu.memory_space<hbm>>) dst(%dma_wait3A_32 : memref<640x128xf32, #tpu.memory_space<vmem_shared>>)
      tpu.yield
    }) : () -> ()
    "tpu.region"() ({
      %run_scoped3A_27 = tpu.sem_alloc : memref<!tpu.dma_semaphore, #tpu.memory_space<semaphore_mem>>
      %dma_start3A_28 = arith.constant 0 : i32
      %dma_start3A_29 = arith.constant 0 : i32
      %dma_start3A_30 = tpu.memref_slice %arg3[%add3A, %dma_start3A_28, %dma_start3A_29] : memref<32x79x128xi32, #tpu.memory_space<hbm>> -> memref<1x79x128xi32, #tpu.memory_space<hbm>>
      %dma_start3A_31 = tpu.memref_squeeze %dma_start3A_30 : memref<1x79x128xi32, #tpu.memory_space<hbm>> -> memref<79x128xi32, #tpu.memory_space<hbm>>
      %dma_start3A_32 = arith.constant 0 : i32
      %dma_start3A_33 = arith.constant 0 : i32
      %dma_start3A_34 = tpu.memref_slice %arg3[%add3A, %dma_start3A_32, %dma_start3A_33] : memref<32x79x128xi32, #tpu.memory_space<hbm>> -> memref<1x79x128xi32, #tpu.memory_space<hbm>>
      %dma_start3A_35 = tpu.memref_squeeze %dma_start3A_34 : memref<1x79x128xi32, #tpu.memory_space<hbm>> -> memref<79x128xi32, #tpu.memory_space<hbm>>
      tpu.enqueue_dma source(%dma_start3A_35 : memref<79x128xi32, #tpu.memory_space<hbm>>) target(%arg7 : memref<79x128xi32, #tpu.memory_space<vmem>>) target_semaphore(%run_scoped3A_27 : memref<!tpu.dma_semaphore, #tpu.memory_space<semaphore_mem>>)
      %dma_wait3A = arith.constant 0 : i32
      %dma_wait3A_36 = arith.constant 0 : i32
      %dma_wait3A_37 = tpu.memref_slice %arg3[%add3A, %dma_wait3A, %dma_wait3A_36] : memref<32x79x128xi32, #tpu.memory_space<hbm>> -> memref<1x79x128xi32, #tpu.memory_space<hbm>>
      %dma_wait3A_38 = tpu.memref_squeeze %dma_wait3A_37 : memref<1x79x128xi32, #tpu.memory_space<hbm>> -> memref<79x128xi32, #tpu.memory_space<hbm>>
      %dma_wait3A_39 = arith.constant 0 : i32
      %dma_wait3A_40 = arith.constant 0 : i32
      %dma_wait3A_41 = tpu.memref_slice %arg3[%add3A, %dma_wait3A_39, %dma_wait3A_40] : memref<32x79x128xi32, #tpu.memory_space<hbm>> -> memref<1x79x128xi32, #tpu.memory_space<hbm>>
      %dma_wait3A_42 = tpu.memref_squeeze %dma_wait3A_41 : memref<1x79x128xi32, #tpu.memory_space<hbm>> -> memref<79x128xi32, #tpu.memory_space<hbm>>
      tpu.wait_dma2 semaphore(%run_scoped3A_27 : memref<!tpu.dma_semaphore, #tpu.memory_space<semaphore_mem>>) src(%dma_wait3A_42 : memref<79x128xi32, #tpu.memory_space<hbm>>) dst(%arg7 : memref<79x128xi32, #tpu.memory_space<vmem>>)
      tpu.yield
    }) : () -> ()
    %run_scoped3A = arith.constant 0 : i32
    %run_scoped3A_5 = arith.constant 0 : i32
    "tpu.region"() ({
      %run_scoped3A_27 = tpu.sem_alloc : memref<!tpu.dma_semaphore, #tpu.memory_space<semaphore_mem>>
      %dma_start3A_28 = arith.constant 0 : i32
      %dma_start3A_29 = tpu.memref_slice %arg8[%run_scoped3A_5, %dma_start3A_28] : memref<2x128xi32, #tpu.memory_space<vmem>> -> memref<1x128xi32, #tpu.memory_space<vmem>>
      %dma_start3A_30 = tpu.memref_squeeze %dma_start3A_29 : memref<1x128xi32, #tpu.memory_space<vmem>> -> memref<128xi32, #tpu.memory_space<vmem>>
      %dma_start3A_31 = arith.constant 0 : i32
      %dma_start3A_32 = tpu.memref_slice %arg4[%add3A, %run_scoped3A, %dma_start3A_31] : memref<32x79x128xi32, #tpu.memory_space<hbm>> -> memref<1x1x128xi32, #tpu.memory_space<hbm>>
      %dma_start3A_33 = tpu.memref_squeeze %dma_start3A_32 : memref<1x1x128xi32, #tpu.memory_space<hbm>> -> memref<128xi32, #tpu.memory_space<hbm>>
      %dma_start3A_34 = arith.constant 0 : i32
      %dma_start3A_35 = tpu.memref_slice %arg8[%run_scoped3A_5, %dma_start3A_34] : memref<2x128xi32, #tpu.memory_space<vmem>> -> memref<1x128xi32, #tpu.memory_space<vmem>>
      %dma_start3A_36 = tpu.memref_squeeze %dma_start3A_35 : memref<1x128xi32, #tpu.memory_space<vmem>> -> memref<128xi32, #tpu.memory_space<vmem>>
      %dma_start3A_37 = arith.constant 0 : i32
      %dma_start3A_38 = tpu.memref_slice %arg4[%add3A, %run_scoped3A, %dma_start3A_37] : memref<32x79x128xi32, #tpu.memory_space<hbm>> -> memref<1x1x128xi32, #tpu.memory_space<hbm>>
      %dma_start3A_39 = tpu.memref_squeeze %dma_start3A_38 : memref<1x1x128xi32, #tpu.memory_space<hbm>> -> memref<128xi32, #tpu.memory_space<hbm>>
      tpu.enqueue_dma source(%dma_start3A_39 : memref<128xi32, #tpu.memory_space<hbm>>) target(%dma_start3A_36 : memref<128xi32, #tpu.memory_space<vmem>>) target_semaphore(%run_scoped3A_27 : memref<!tpu.dma_semaphore, #tpu.memory_space<semaphore_mem>>)
      %dma_wait3A = arith.constant 0 : i32
      %dma_wait3A_40 = tpu.memref_slice %arg8[%run_scoped3A_5, %dma_wait3A] : memref<2x128xi32, #tpu.memory_space<vmem>> -> memref<1x128xi32, #tpu.memory_space<vmem>>
      %dma_wait3A_41 = tpu.memref_squeeze %dma_wait3A_40 : memref<1x128xi32, #tpu.memory_space<vmem>> -> memref<128xi32, #tpu.memory_space<vmem>>
      %dma_wait3A_42 = arith.constant 0 : i32
      %dma_wait3A_43 = tpu.memref_slice %arg4[%add3A, %run_scoped3A, %dma_wait3A_42] : memref<32x79x128xi32, #tpu.memory_space<hbm>> -> memref<1x1x128xi32, #tpu.memory_space<hbm>>
      %dma_wait3A_44 = tpu.memref_squeeze %dma_wait3A_43 : memref<1x1x128xi32, #tpu.memory_space<hbm>> -> memref<128xi32, #tpu.memory_space<hbm>>
      %dma_wait3A_45 = arith.constant 0 : i32
      %dma_wait3A_46 = tpu.memref_slice %arg8[%run_scoped3A_5, %dma_wait3A_45] : memref<2x128xi32, #tpu.memory_space<vmem>> -> memref<1x128xi32, #tpu.memory_space<vmem>>
      %dma_wait3A_47 = tpu.memref_squeeze %dma_wait3A_46 : memref<1x128xi32, #tpu.memory_space<vmem>> -> memref<128xi32, #tpu.memory_space<vmem>>
      %dma_wait3A_48 = arith.constant 0 : i32
      %dma_wait3A_49 = tpu.memref_slice %arg4[%add3A, %run_scoped3A, %dma_wait3A_48] : memref<32x79x128xi32, #tpu.memory_space<hbm>> -> memref<1x1x128xi32, #tpu.memory_space<hbm>>
      %dma_wait3A_50 = tpu.memref_squeeze %dma_wait3A_49 : memref<1x1x128xi32, #tpu.memory_space<hbm>> -> memref<128xi32, #tpu.memory_space<hbm>>
      tpu.wait_dma2 semaphore(%run_scoped3A_27 : memref<!tpu.dma_semaphore, #tpu.memory_space<semaphore_mem>>) src(%dma_wait3A_50 : memref<128xi32, #tpu.memory_space<hbm>>) dst(%dma_wait3A_47 : memref<128xi32, #tpu.memory_space<vmem>>)
      tpu.yield
    }) : () -> ()
    %barrier3A = arith.constant 0 : index
    tpu.barrier barrier_id(%barrier3A)
    %dma_start3A = arith.constant 0 : i32
    %dma_start3A_6 = arith.constant 0 : i32
    %dma_start3A_7 = arith.constant 0 : i32
    %dma_start3A_8 = arith.constant 0 : i32
    %dma_start3A_9 = tpu.memref_slice %arg9[%dma_start3A_6, %dma_start3A_7, %dma_start3A_8] : memref<2x128x128xf32, #tpu.memory_space<vmem>> -> memref<1x128x128xf32, #tpu.memory_space<vmem>>
    %dma_start3A_10 = tpu.memref_squeeze %dma_start3A_9 : memref<1x128x128xf32, #tpu.memory_space<vmem>> -> memref<128x128xf32, #tpu.memory_space<vmem>>
    %dma_start3A_11 = arith.constant 0 : i32
    %dma_start3A_12 = tpu.memref_slice %arg7[%dma_start3A, %dma_start3A_11] : memref<79x128xi32, #tpu.memory_space<vmem>> -> memref<1x128xi32, #tpu.memory_space<vmem>>
    %dma_start3A_13 = tpu.memref_squeeze %dma_start3A_12 : memref<1x128xi32, #tpu.memory_space<vmem>> -> memref<128xi32, #tpu.memory_space<vmem>>
    %dma_start3A_14 = arith.constant 0 : i32
    %dma_start3A_15 = arith.constant 0 : i32
    %dma_start3A_16 = tpu.memref_slice %arg2[%dma_start3A_14, %dma_start3A_15] : memref<10240x128xf32, #tpu.memory_space<hbm>> -> memref<10240x128xf32, #tpu.memory_space<hbm>>
    tpu.enqueue_indirect_dma source(%dma_start3A_16 : memref<10240x128xf32, #tpu.memory_space<hbm>>) target(%dma_start3A_10 : memref<128x128xf32, #tpu.memory_space<vmem>>) offsets(%dma_start3A_13 : memref<128xi32, #tpu.memory_space<vmem>>) semaphore(%arg10 : memref<!tpu.dma_semaphore, #tpu.memory_space<semaphore_mem>>)
    %scan3A = arith.constant 0 : i32
    %scan3A_17 = arith.constant 0 : i32
    %scan3A_18 = arith.constant 79 : i32
    %scan3A_19 = arith.addi %scan3A_17, %scan3A_18 : i32
    %scan3A_20 = arith.constant 1 : i32
    scf.for %scan3A_27 = %scan3A_17 to %scan3A_19 step %scan3A_20  : i32 {
      %and3A = arith.constant 1 : i32
      %and3A_28 = arith.andi %scan3A_27, %and3A : i32
      %dma_wait3A = arith.constant 0 : i32
      %dma_wait3A_29 = arith.constant 0 : i32
      %dma_wait3A_30 = tpu.memref_slice %arg9[%and3A_28, %dma_wait3A, %dma_wait3A_29] : memref<2x128x128xf32, #tpu.memory_space<vmem>> -> memref<1x128x128xf32, #tpu.memory_space<vmem>>
      %dma_wait3A_31 = tpu.memref_squeeze %dma_wait3A_30 : memref<1x128x128xf32, #tpu.memory_space<vmem>> -> memref<128x128xf32, #tpu.memory_space<vmem>>
      %dma_wait3A_32 = arith.constant 0 : i32
      %dma_wait3A_33 = tpu.memref_slice %arg7[%scan3A_27, %dma_wait3A_32] : memref<79x128xi32, #tpu.memory_space<vmem>> -> memref<1x128xi32, #tpu.memory_space<vmem>>
      %dma_wait3A_34 = tpu.memref_squeeze %dma_wait3A_33 : memref<1x128xi32, #tpu.memory_space<vmem>> -> memref<128xi32, #tpu.memory_space<vmem>>
      %dma_wait3A_35 = arith.constant 0 : i32
      %dma_wait3A_36 = arith.constant 0 : i32
      %dma_wait3A_37 = tpu.memref_slice %arg2[%dma_wait3A_35, %dma_wait3A_36] : memref<10240x128xf32, #tpu.memory_space<hbm>> -> memref<10240x128xf32, #tpu.memory_space<hbm>>
      tpu.wait_indirect_dma semaphore(%arg10 : memref<!tpu.dma_semaphore, #tpu.memory_space<semaphore_mem>>) src(%dma_wait3A_37 : memref<10240x128xf32, #tpu.memory_space<hbm>>) dst(%dma_wait3A_31 : memref<128x128xf32, #tpu.memory_space<vmem>>)
      %add3A_38 = arith.constant 1 : i32
      %add3A_39 = arith.addi %scan3A_27, %add3A_38 : i32
      %lt3A = arith.constant 79 : i32
      %lt3A_40 = arith.cmpi slt, %add3A_39, %lt3A : i32
      %convert_element_type3A = arith.extui %lt3A_40 : i1 to i32
      %cond3A = arith.constant 0 : i32
      %cond3A_41 = arith.cmpi ne, %convert_element_type3A, %cond3A : i32
      scf.if %cond3A_41 {
        %add3A_53 = arith.constant 1 : i32
        %add3A_54 = arith.addi %scan3A_27, %add3A_53 : i32
        %sub3A = arith.constant 1 : i32
        %sub3A_55 = arith.subi %sub3A, %and3A_28 : i32
        %dma_start3A_56 = arith.constant 0 : i32
        %dma_start3A_57 = arith.constant 0 : i32
        %dma_start3A_58 = tpu.memref_slice %arg9[%sub3A_55, %dma_start3A_56, %dma_start3A_57] : memref<2x128x128xf32, #tpu.memory_space<vmem>> -> memref<1x128x128xf32, #tpu.memory_space<vmem>>
        %dma_start3A_59 = tpu.memref_squeeze %dma_start3A_58 : memref<1x128x128xf32, #tpu.memory_space<vmem>> -> memref<128x128xf32, #tpu.memory_space<vmem>>
        %dma_start3A_60 = arith.constant 0 : i32
        %dma_start3A_61 = tpu.memref_slice %arg7[%add3A_54, %dma_start3A_60] : memref<79x128xi32, #tpu.memory_space<vmem>> -> memref<1x128xi32, #tpu.memory_space<vmem>>
        %dma_start3A_62 = tpu.memref_squeeze %dma_start3A_61 : memref<1x128xi32, #tpu.memory_space<vmem>> -> memref<128xi32, #tpu.memory_space<vmem>>
        %dma_start3A_63 = arith.constant 0 : i32
        %dma_start3A_64 = arith.constant 0 : i32
        %dma_start3A_65 = tpu.memref_slice %arg2[%dma_start3A_63, %dma_start3A_64] : memref<10240x128xf32, #tpu.memory_space<hbm>> -> memref<10240x128xf32, #tpu.memory_space<hbm>>
        tpu.enqueue_indirect_dma source(%dma_start3A_65 : memref<10240x128xf32, #tpu.memory_space<hbm>>) target(%dma_start3A_59 : memref<128x128xf32, #tpu.memory_space<vmem>>) offsets(%dma_start3A_62 : memref<128xi32, #tpu.memory_space<vmem>>) semaphore(%arg10 : memref<!tpu.dma_semaphore, #tpu.memory_space<semaphore_mem>>)
      } else {
      }
      %gt3A = arith.constant 0 : i32
      %gt3A_42 = arith.cmpi sgt, %scan3A_27, %gt3A : i32
      %convert_element_type3A_43 = arith.extui %gt3A_42 : i1 to i32
      %cond3A_44 = arith.constant 0 : i32
      %cond3A_45 = arith.cmpi ne, %convert_element_type3A_43, %cond3A_44 : i32
      scf.if %cond3A_45 {
        %dma_wait3A_53 = arith.constant 0 : i32
        %dma_wait3A_54 = tpu.memref_slice %arg8[%and3A_28, %dma_wait3A_53] : memref<2x128xi32, #tpu.memory_space<vmem>> -> memref<1x128xi32, #tpu.memory_space<vmem>>
        %dma_wait3A_55 = tpu.memref_squeeze %dma_wait3A_54 : memref<1x128xi32, #tpu.memory_space<vmem>> -> memref<128xi32, #tpu.memory_space<vmem>>
        %dma_wait3A_56 = arith.constant 0 : i32
        %dma_wait3A_57 = tpu.memref_slice %arg4[%add3A, %scan3A_27, %dma_wait3A_56] : memref<32x79x128xi32, #tpu.memory_space<hbm>> -> memref<1x1x128xi32, #tpu.memory_space<hbm>>
        %dma_wait3A_58 = tpu.memref_squeeze %dma_wait3A_57 : memref<1x1x128xi32, #tpu.memory_space<hbm>> -> memref<128xi32, #tpu.memory_space<hbm>>
        %dma_wait3A_59 = arith.constant 0 : i32
        %dma_wait3A_60 = tpu.memref_slice %arg8[%and3A_28, %dma_wait3A_59] : memref<2x128xi32, #tpu.memory_space<vmem>> -> memref<1x128xi32, #tpu.memory_space<vmem>>
        %dma_wait3A_61 = tpu.memref_squeeze %dma_wait3A_60 : memref<1x128xi32, #tpu.memory_space<vmem>> -> memref<128xi32, #tpu.memory_space<vmem>>
        %dma_wait3A_62 = arith.constant 0 : i32
        %dma_wait3A_63 = tpu.memref_slice %arg4[%add3A, %scan3A_27, %dma_wait3A_62] : memref<32x79x128xi32, #tpu.memory_space<hbm>> -> memref<1x1x128xi32, #tpu.memory_space<hbm>>
        %dma_wait3A_64 = tpu.memref_squeeze %dma_wait3A_63 : memref<1x1x128xi32, #tpu.memory_space<hbm>> -> memref<128xi32, #tpu.memory_space<hbm>>
        tpu.wait_dma2 semaphore(%arg11 : memref<!tpu.dma_semaphore, #tpu.memory_space<semaphore_mem>>) src(%dma_wait3A_64 : memref<128xi32, #tpu.memory_space<hbm>>) dst(%dma_wait3A_61 : memref<128xi32, #tpu.memory_space<vmem>>)
      } else {
      }
      %add3A_46 = arith.constant 1 : i32
      %add3A_47 = arith.addi %scan3A_27, %add3A_46 : i32
      %lt3A_48 = arith.constant 79 : i32
      %lt3A_49 = arith.cmpi slt, %add3A_47, %lt3A_48 : i32
      %convert_element_type3A_50 = arith.extui %lt3A_49 : i1 to i32
      %cond3A_51 = arith.constant 0 : i32
      %cond3A_52 = arith.cmpi ne, %convert_element_type3A_50, %cond3A_51 : i32
      scf.if %cond3A_52 {
        %add3A_53 = arith.constant 1 : i32
        %add3A_54 = arith.addi %scan3A_27, %add3A_53 : i32
        %sub3A = arith.constant 1 : i32
        %sub3A_55 = arith.subi %sub3A, %and3A_28 : i32
        %dma_start3A_56 = arith.constant 0 : i32
        %dma_start3A_57 = tpu.memref_slice %arg8[%sub3A_55, %dma_start3A_56] : memref<2x128xi32, #tpu.memory_space<vmem>> -> memref<1x128xi32, #tpu.memory_space<vmem>>
        %dma_start3A_58 = tpu.memref_squeeze %dma_start3A_57 : memref<1x128xi32, #tpu.memory_space<vmem>> -> memref<128xi32, #tpu.memory_space<vmem>>
        %dma_start3A_59 = arith.constant 0 : i32
        %dma_start3A_60 = tpu.memref_slice %arg4[%add3A, %add3A_54, %dma_start3A_59] : memref<32x79x128xi32, #tpu.memory_space<hbm>> -> memref<1x1x128xi32, #tpu.memory_space<hbm>>
        %dma_start3A_61 = tpu.memref_squeeze %dma_start3A_60 : memref<1x1x128xi32, #tpu.memory_space<hbm>> -> memref<128xi32, #tpu.memory_space<hbm>>
        %dma_start3A_62 = arith.constant 0 : i32
        %dma_start3A_63 = tpu.memref_slice %arg8[%sub3A_55, %dma_start3A_62] : memref<2x128xi32, #tpu.memory_space<vmem>> -> memref<1x128xi32, #tpu.memory_space<vmem>>
        %dma_start3A_64 = tpu.memref_squeeze %dma_start3A_63 : memref<1x128xi32, #tpu.memory_space<vmem>> -> memref<128xi32, #tpu.memory_space<vmem>>
        %dma_start3A_65 = arith.constant 0 : i32
        %dma_start3A_66 = tpu.memref_slice %arg4[%add3A, %add3A_54, %dma_start3A_65] : memref<32x79x128xi32, #tpu.memory_space<hbm>> -> memref<1x1x128xi32, #tpu.memory_space<hbm>>
        %dma_start3A_67 = tpu.memref_squeeze %dma_start3A_66 : memref<1x1x128xi32, #tpu.memory_space<hbm>> -> memref<128xi32, #tpu.memory_space<hbm>>
        tpu.enqueue_dma source(%dma_start3A_67 : memref<128xi32, #tpu.memory_space<hbm>>) target(%dma_start3A_64 : memref<128xi32, #tpu.memory_space<vmem>>) target_semaphore(%arg11 : memref<!tpu.dma_semaphore, #tpu.memory_space<semaphore_mem>>)
      } else {
      }
      "tpu.region"() ({
        %run_scoped3A_53 = tpu.sem_alloc : memref<!tpu.dma_semaphore, #tpu.memory_space<semaphore_mem>>
        %dma_start3A_54 = arith.constant 0 : i32
        %dma_start3A_55 = arith.constant 0 : i32
        %dma_start3A_56 = tpu.memref_slice %arg9[%and3A_28, %dma_start3A_54, %dma_start3A_55] : memref<2x128x128xf32, #tpu.memory_space<vmem>> -> memref<1x128x128xf32, #tpu.memory_space<vmem>>
        %dma_start3A_57 = tpu.memref_squeeze %dma_start3A_56 : memref<1x128x128xf32, #tpu.memory_space<vmem>> -> memref<128x128xf32, #tpu.memory_space<vmem>>
        %dma_start3A_58 = arith.constant 0 : i32
        %dma_start3A_59 = tpu.memref_slice %arg8[%and3A_28, %dma_start3A_58] : memref<2x128xi32, #tpu.memory_space<vmem>> -> memref<1x128xi32, #tpu.memory_space<vmem>>
        %dma_start3A_60 = tpu.memref_squeeze %dma_start3A_59 : memref<1x128xi32, #tpu.memory_space<vmem>> -> memref<128xi32, #tpu.memory_space<vmem>>
        %dma_start3A_61 = arith.constant 0 : i32
        %dma_start3A_62 = arith.constant 0 : i32
        %dma_start3A_63 = tpu.memref_slice %arg12[%dma_start3A_61, %dma_start3A_62] : memref<10240x128xf32, #tpu.memory_space<vmem_shared>> -> memref<10240x128xf32, #tpu.memory_space<vmem_shared>>
        tpu.enqueue_indirect_dma source(%dma_start3A_57 : memref<128x128xf32, #tpu.memory_space<vmem>>) target(%dma_start3A_63 : memref<10240x128xf32, #tpu.memory_space<vmem_shared>>) offsets(%dma_start3A_60 : memref<128xi32, #tpu.memory_space<vmem>>) semaphore(%run_scoped3A_53 : memref<!tpu.dma_semaphore, #tpu.memory_space<semaphore_mem>>) {add = true}
        %dma_wait3A_64 = arith.constant 0 : i32
        %dma_wait3A_65 = arith.constant 0 : i32
        %dma_wait3A_66 = tpu.memref_slice %arg9[%and3A_28, %dma_wait3A_64, %dma_wait3A_65] : memref<2x128x128xf32, #tpu.memory_space<vmem>> -> memref<1x128x128xf32, #tpu.memory_space<vmem>>
        %dma_wait3A_67 = tpu.memref_squeeze %dma_wait3A_66 : memref<1x128x128xf32, #tpu.memory_space<vmem>> -> memref<128x128xf32, #tpu.memory_space<vmem>>
        %dma_wait3A_68 = arith.constant 0 : i32
        %dma_wait3A_69 = tpu.memref_slice %arg8[%and3A_28, %dma_wait3A_68] : memref<2x128xi32, #tpu.memory_space<vmem>> -> memref<1x128xi32, #tpu.memory_space<vmem>>
        %dma_wait3A_70 = tpu.memref_squeeze %dma_wait3A_69 : memref<1x128xi32, #tpu.memory_space<vmem>> -> memref<128xi32, #tpu.memory_space<vmem>>
        %dma_wait3A_71 = arith.constant 0 : i32
        %dma_wait3A_72 = arith.constant 0 : i32
        %dma_wait3A_73 = tpu.memref_slice %arg12[%dma_wait3A_71, %dma_wait3A_72] : memref<10240x128xf32, #tpu.memory_space<vmem_shared>> -> memref<10240x128xf32, #tpu.memory_space<vmem_shared>>
        tpu.wait_indirect_dma semaphore(%run_scoped3A_53 : memref<!tpu.dma_semaphore, #tpu.memory_space<semaphore_mem>>) src(%dma_wait3A_67 : memref<128x128xf32, #tpu.memory_space<vmem>>) dst(%dma_wait3A_73 : memref<10240x128xf32, #tpu.memory_space<vmem_shared>>)
        tpu.yield
      }) : () -> ()
    }
    %scan3A_21 = arith.constant 79 : i32
    %barrier3A_22 = arith.constant 0 : index
    tpu.barrier barrier_id(%barrier3A_22)
    %mul3A_23 = arith.constant 640 : i32
    %mul3A_24 = arith.muli %arg1, %mul3A_23 : i32
    %mul3A_25 = arith.constant 640 : i32
    %mul3A_26 = arith.muli %arg1, %mul3A_25 : i32
    "tpu.region"() ({
      %run_scoped3A_27 = tpu.sem_alloc : memref<!tpu.dma_semaphore, #tpu.memory_space<semaphore_mem>>
      %dma_start3A_28 = arith.constant 0 : i32
      %dma_start3A_29 = tpu.memref_slice %arg6[%arg0, %mul3A_26, %dma_start3A_28] : memref<2x10240x128xf32, #tpu.memory_space<hbm>> -> memref<1x640x128xf32, #tpu.memory_space<hbm>>
      %dma_start3A_30 = tpu.memref_squeeze %dma_start3A_29 : memref<1x640x128xf32, #tpu.memory_space<hbm>> -> memref<640x128xf32, #tpu.memory_space<hbm>>
      %dma_start3A_31 = arith.constant 0 : i32
      %dma_start3A_32 = tpu.memref_slice %arg12[%mul3A_24, %dma_start3A_31] : memref<10240x128xf32, #tpu.memory_space<vmem_shared>> -> memref<640x128xf32, #tpu.memory_space<vmem_shared>>
      tpu.enqueue_dma source(%dma_start3A_32 : memref<640x128xf32, #tpu.memory_space<vmem_shared>>) target(%dma_start3A_30 : memref<640x128xf32, #tpu.memory_space<hbm>>) target_semaphore(%run_scoped3A_27 : memref<!tpu.dma_semaphore, #tpu.memory_space<semaphore_mem>>)
      %dma_wait3A = arith.constant 0 : i32
      %dma_wait3A_33 = tpu.memref_slice %arg6[%arg0, %mul3A_26, %dma_wait3A] : memref<2x10240x128xf32, #tpu.memory_space<hbm>> -> memref<1x640x128xf32, #tpu.memory_space<hbm>>
      %dma_wait3A_34 = tpu.memref_squeeze %dma_wait3A_33 : memref<1x640x128xf32, #tpu.memory_space<hbm>> -> memref<640x128xf32, #tpu.memory_space<hbm>>
      %dma_wait3A_35 = arith.constant 0 : i32
      %dma_wait3A_36 = tpu.memref_slice %arg12[%mul3A_24, %dma_wait3A_35] : memref<10240x128xf32, #tpu.memory_space<vmem_shared>> -> memref<640x128xf32, #tpu.memory_space<vmem_shared>>
      tpu.wait_dma2 semaphore(%run_scoped3A_27 : memref<!tpu.dma_semaphore, #tpu.memory_space<semaphore_mem>>) src(%dma_wait3A_36 : memref<640x128xf32, #tpu.memory_space<vmem_shared>>) dst(%dma_wait3A_34 : memref<640x128xf32, #tpu.memory_space<hbm>>)
      tpu.yield
    }) : () -> ()
    return
  }
}

#map = affine_map<(d0, d1) -> (0, 0, 0)>
#map1 = affine_map<(d0, d1) -> (0, 0)>
module attributes {stable_mosaic.version = 14 : i64} {
  func.func @_deg_body(%arg0: i32, %arg1: i32, %arg2: memref<32x79x128xi32, #tpu.memory_space<hbm>>, %arg3: memref<32x79x128xi32, #tpu.memory_space<hbm>>, %arg4: memref<10240x128xf32, #tpu.memory_space<hbm>>, %arg5: memref<128x128xf32, #tpu.memory_space<hbm>>, %arg6: memref<2x10240x128xf32, #tpu.memory_space<hbm>>, %arg7: memref<158x128xi32, #tpu.memory_space<vmem>>, %arg8: memref<128x128xf32, #tpu.memory_space<vmem>>, %arg9: memref<10240x128xf32, #tpu.memory_space<vmem_shared>>) attributes {dimension_semantics = [#tpu.dimension_semantics<core_parallel>, #tpu.dimension_semantics<subcore_parallel>], iteration_bounds = array<i64: 2, 16>, scalar_prefetch = 0 : i64, scratch_operands = 3 : i64, tpu.core_type = #tpu.core_type<sc_vector_subcore>, window_params = [{transform_indices = #map}, {transform_indices = #map}, {transform_indices = #map1}, {transform_indices = #map1}, {transform_indices = #map}]} {
    %mul3A = arith.constant 640 : i32
    %mul3A_0 = arith.muli %arg1, %mul3A : i32
    %mul3A_1 = arith.constant 640 : i32
    %mul3A_2 = arith.muli %arg1, %mul3A_1 : i32
    "tpu.region"() ({
      %run_scoped3A = tpu.sem_alloc : memref<!tpu.dma_semaphore, #tpu.memory_space<semaphore_mem>>
      %dma_start3A = arith.constant 0 : i32
      %dma_start3A_20 = tpu.memref_slice %arg9[%mul3A_2, %dma_start3A] : memref<10240x128xf32, #tpu.memory_space<vmem_shared>> -> memref<640x128xf32, #tpu.memory_space<vmem_shared>>
      %dma_start3A_21 = arith.constant 0 : i32
      %dma_start3A_22 = tpu.memref_slice %arg4[%mul3A_0, %dma_start3A_21] : memref<10240x128xf32, #tpu.memory_space<hbm>> -> memref<640x128xf32, #tpu.memory_space<hbm>>
      tpu.enqueue_dma source(%dma_start3A_22 : memref<640x128xf32, #tpu.memory_space<hbm>>) target(%dma_start3A_20 : memref<640x128xf32, #tpu.memory_space<vmem_shared>>) target_semaphore(%run_scoped3A : memref<!tpu.dma_semaphore, #tpu.memory_space<semaphore_mem>>)
      %dma_wait3A = arith.constant 0 : i32
      %dma_wait3A_23 = tpu.memref_slice %arg9[%mul3A_2, %dma_wait3A] : memref<10240x128xf32, #tpu.memory_space<vmem_shared>> -> memref<640x128xf32, #tpu.memory_space<vmem_shared>>
      %dma_wait3A_24 = arith.constant 0 : i32
      %dma_wait3A_25 = tpu.memref_slice %arg4[%mul3A_0, %dma_wait3A_24] : memref<10240x128xf32, #tpu.memory_space<hbm>> -> memref<640x128xf32, #tpu.memory_space<hbm>>
      tpu.wait_dma2 semaphore(%run_scoped3A : memref<!tpu.dma_semaphore, #tpu.memory_space<semaphore_mem>>) src(%dma_wait3A_25 : memref<640x128xf32, #tpu.memory_space<hbm>>) dst(%dma_wait3A_23 : memref<640x128xf32, #tpu.memory_space<vmem_shared>>)
      tpu.yield
    }) : () -> ()
    "tpu.region"() ({
      %run_scoped3A = tpu.sem_alloc : memref<!tpu.dma_semaphore, #tpu.memory_space<semaphore_mem>>
      tpu.enqueue_dma source(%arg5 : memref<128x128xf32, #tpu.memory_space<hbm>>) target(%arg8 : memref<128x128xf32, #tpu.memory_space<vmem>>) target_semaphore(%run_scoped3A : memref<!tpu.dma_semaphore, #tpu.memory_space<semaphore_mem>>)
      tpu.wait_dma2 semaphore(%run_scoped3A : memref<!tpu.dma_semaphore, #tpu.memory_space<semaphore_mem>>) src(%arg5 : memref<128x128xf32, #tpu.memory_space<hbm>>) dst(%arg8 : memref<128x128xf32, #tpu.memory_space<vmem>>)
      tpu.yield
    }) : () -> ()
    %eq3A = arith.constant 0 : i32
    %eq3A_3 = arith.cmpi eq, %arg0, %eq3A : i32
    %convert_element_type3A = arith.extui %eq3A_3 : i1 to i32
    %cond3A = arith.constant 0 : i32
    %cond3A_4 = arith.cmpi ne, %convert_element_type3A, %cond3A : i32
    scf.if %cond3A_4 {
      %mul3A_20 = arith.constant 2 : i32
      %mul3A_21 = arith.muli %mul3A_20, %arg1 : i32
      "tpu.region"() ({
        %run_scoped3A = tpu.sem_alloc : memref<!tpu.dma_semaphore, #tpu.memory_space<semaphore_mem>>
        %dma_start3A = arith.constant 0 : i32
        %dma_start3A_25 = arith.constant 0 : i32
        %dma_start3A_26 = tpu.memref_slice %arg7[%dma_start3A, %dma_start3A_25] : memref<158x128xi32, #tpu.memory_space<vmem>> -> memref<79x128xi32, #tpu.memory_space<vmem>>
        %dma_start3A_27 = arith.constant 0 : i32
        %dma_start3A_28 = arith.constant 0 : i32
        %dma_start3A_29 = tpu.memref_slice %arg2[%mul3A_21, %dma_start3A_27, %dma_start3A_28] : memref<32x79x128xi32, #tpu.memory_space<hbm>> -> memref<1x79x128xi32, #tpu.memory_space<hbm>>
        %dma_start3A_30 = tpu.memref_squeeze %dma_start3A_29 : memref<1x79x128xi32, #tpu.memory_space<hbm>> -> memref<79x128xi32, #tpu.memory_space<hbm>>
        %dma_start3A_31 = arith.constant 0 : i32
        %dma_start3A_32 = arith.constant 0 : i32
        %dma_start3A_33 = tpu.memref_slice %arg7[%dma_start3A_31, %dma_start3A_32] : memref<158x128xi32, #tpu.memory_space<vmem>> -> memref<79x128xi32, #tpu.memory_space<vmem>>
        %dma_start3A_34 = arith.constant 0 : i32
        %dma_start3A_35 = arith.constant 0 : i32
        %dma_start3A_36 = tpu.memref_slice %arg2[%mul3A_21, %dma_start3A_34, %dma_start3A_35] : memref<32x79x128xi32, #tpu.memory_space<hbm>> -> memref<1x79x128xi32, #tpu.memory_space<hbm>>
        %dma_start3A_37 = tpu.memref_squeeze %dma_start3A_36 : memref<1x79x128xi32, #tpu.memory_space<hbm>> -> memref<79x128xi32, #tpu.memory_space<hbm>>
        tpu.enqueue_dma source(%dma_start3A_37 : memref<79x128xi32, #tpu.memory_space<hbm>>) target(%dma_start3A_33 : memref<79x128xi32, #tpu.memory_space<vmem>>) target_semaphore(%run_scoped3A : memref<!tpu.dma_semaphore, #tpu.memory_space<semaphore_mem>>)
        %dma_wait3A = arith.constant 0 : i32
        %dma_wait3A_38 = arith.constant 0 : i32
        %dma_wait3A_39 = tpu.memref_slice %arg7[%dma_wait3A, %dma_wait3A_38] : memref<158x128xi32, #tpu.memory_space<vmem>> -> memref<79x128xi32, #tpu.memory_space<vmem>>
        %dma_wait3A_40 = arith.constant 0 : i32
        %dma_wait3A_41 = arith.constant 0 : i32
        %dma_wait3A_42 = tpu.memref_slice %arg2[%mul3A_21, %dma_wait3A_40, %dma_wait3A_41] : memref<32x79x128xi32, #tpu.memory_space<hbm>> -> memref<1x79x128xi32, #tpu.memory_space<hbm>>
        %dma_wait3A_43 = tpu.memref_squeeze %dma_wait3A_42 : memref<1x79x128xi32, #tpu.memory_space<hbm>> -> memref<79x128xi32, #tpu.memory_space<hbm>>
        %dma_wait3A_44 = arith.constant 0 : i32
        %dma_wait3A_45 = arith.constant 0 : i32
        %dma_wait3A_46 = tpu.memref_slice %arg7[%dma_wait3A_44, %dma_wait3A_45] : memref<158x128xi32, #tpu.memory_space<vmem>> -> memref<79x128xi32, #tpu.memory_space<vmem>>
        %dma_wait3A_47 = arith.constant 0 : i32
        %dma_wait3A_48 = arith.constant 0 : i32
        %dma_wait3A_49 = tpu.memref_slice %arg2[%mul3A_21, %dma_wait3A_47, %dma_wait3A_48] : memref<32x79x128xi32, #tpu.memory_space<hbm>> -> memref<1x79x128xi32, #tpu.memory_space<hbm>>
        %dma_wait3A_50 = tpu.memref_squeeze %dma_wait3A_49 : memref<1x79x128xi32, #tpu.memory_space<hbm>> -> memref<79x128xi32, #tpu.memory_space<hbm>>
        tpu.wait_dma2 semaphore(%run_scoped3A : memref<!tpu.dma_semaphore, #tpu.memory_space<semaphore_mem>>) src(%dma_wait3A_50 : memref<79x128xi32, #tpu.memory_space<hbm>>) dst(%dma_wait3A_46 : memref<79x128xi32, #tpu.memory_space<vmem>>)
        tpu.yield
      }) : () -> ()
      %mul3A_22 = arith.constant 2 : i32
      %mul3A_23 = arith.muli %mul3A_22, %arg1 : i32
      %add3A = arith.constant 1 : i32
      %add3A_24 = arith.addi %mul3A_23, %add3A : i32
      "tpu.region"() ({
        %run_scoped3A = tpu.sem_alloc : memref<!tpu.dma_semaphore, #tpu.memory_space<semaphore_mem>>
        %dma_start3A = arith.constant 79 : i32
        %dma_start3A_25 = arith.constant 0 : i32
        %dma_start3A_26 = tpu.memref_slice %arg7[%dma_start3A, %dma_start3A_25] : memref<158x128xi32, #tpu.memory_space<vmem>> -> memref<79x128xi32, #tpu.memory_space<vmem>>
        %dma_start3A_27 = arith.constant 0 : i32
        %dma_start3A_28 = arith.constant 0 : i32
        %dma_start3A_29 = tpu.memref_slice %arg2[%add3A_24, %dma_start3A_27, %dma_start3A_28] : memref<32x79x128xi32, #tpu.memory_space<hbm>> -> memref<1x79x128xi32, #tpu.memory_space<hbm>>
        %dma_start3A_30 = tpu.memref_squeeze %dma_start3A_29 : memref<1x79x128xi32, #tpu.memory_space<hbm>> -> memref<79x128xi32, #tpu.memory_space<hbm>>
        %dma_start3A_31 = arith.constant 79 : i32
        %dma_start3A_32 = arith.constant 0 : i32
        %dma_start3A_33 = tpu.memref_slice %arg7[%dma_start3A_31, %dma_start3A_32] : memref<158x128xi32, #tpu.memory_space<vmem>> -> memref<79x128xi32, #tpu.memory_space<vmem>>
        %dma_start3A_34 = arith.constant 0 : i32
        %dma_start3A_35 = arith.constant 0 : i32
        %dma_start3A_36 = tpu.memref_slice %arg2[%add3A_24, %dma_start3A_34, %dma_start3A_35] : memref<32x79x128xi32, #tpu.memory_space<hbm>> -> memref<1x79x128xi32, #tpu.memory_space<hbm>>
        %dma_start3A_37 = tpu.memref_squeeze %dma_start3A_36 : memref<1x79x128xi32, #tpu.memory_space<hbm>> -> memref<79x128xi32, #tpu.memory_space<hbm>>
        tpu.enqueue_dma source(%dma_start3A_37 : memref<79x128xi32, #tpu.memory_space<hbm>>) target(%dma_start3A_33 : memref<79x128xi32, #tpu.memory_space<vmem>>) target_semaphore(%run_scoped3A : memref<!tpu.dma_semaphore, #tpu.memory_space<semaphore_mem>>)
        %dma_wait3A = arith.constant 79 : i32
        %dma_wait3A_38 = arith.constant 0 : i32
        %dma_wait3A_39 = tpu.memref_slice %arg7[%dma_wait3A, %dma_wait3A_38] : memref<158x128xi32, #tpu.memory_space<vmem>> -> memref<79x128xi32, #tpu.memory_space<vmem>>
        %dma_wait3A_40 = arith.constant 0 : i32
        %dma_wait3A_41 = arith.constant 0 : i32
        %dma_wait3A_42 = tpu.memref_slice %arg2[%add3A_24, %dma_wait3A_40, %dma_wait3A_41] : memref<32x79x128xi32, #tpu.memory_space<hbm>> -> memref<1x79x128xi32, #tpu.memory_space<hbm>>
        %dma_wait3A_43 = tpu.memref_squeeze %dma_wait3A_42 : memref<1x79x128xi32, #tpu.memory_space<hbm>> -> memref<79x128xi32, #tpu.memory_space<hbm>>
        %dma_wait3A_44 = arith.constant 79 : i32
        %dma_wait3A_45 = arith.constant 0 : i32
        %dma_wait3A_46 = tpu.memref_slice %arg7[%dma_wait3A_44, %dma_wait3A_45] : memref<158x128xi32, #tpu.memory_space<vmem>> -> memref<79x128xi32, #tpu.memory_space<vmem>>
        %dma_wait3A_47 = arith.constant 0 : i32
        %dma_wait3A_48 = arith.constant 0 : i32
        %dma_wait3A_49 = tpu.memref_slice %arg2[%add3A_24, %dma_wait3A_47, %dma_wait3A_48] : memref<32x79x128xi32, #tpu.memory_space<hbm>> -> memref<1x79x128xi32, #tpu.memory_space<hbm>>
        %dma_wait3A_50 = tpu.memref_squeeze %dma_wait3A_49 : memref<1x79x128xi32, #tpu.memory_space<hbm>> -> memref<79x128xi32, #tpu.memory_space<hbm>>
        tpu.wait_dma2 semaphore(%run_scoped3A : memref<!tpu.dma_semaphore, #tpu.memory_space<semaphore_mem>>) src(%dma_wait3A_50 : memref<79x128xi32, #tpu.memory_space<hbm>>) dst(%dma_wait3A_46 : memref<79x128xi32, #tpu.memory_space<vmem>>)
        tpu.yield
      }) : () -> ()
    } else {
    }
    %eq3A_5 = arith.constant 1 : i32
    %eq3A_6 = arith.cmpi eq, %arg0, %eq3A_5 : i32
    %convert_element_type3A_7 = arith.extui %eq3A_6 : i1 to i32
    %cond3A_8 = arith.constant 0 : i32
    %cond3A_9 = arith.cmpi ne, %convert_element_type3A_7, %cond3A_8 : i32
    scf.if %cond3A_9 {
      %mul3A_20 = arith.constant 2 : i32
      %mul3A_21 = arith.muli %mul3A_20, %arg1 : i32
      "tpu.region"() ({
        %run_scoped3A = tpu.sem_alloc : memref<!tpu.dma_semaphore, #tpu.memory_space<semaphore_mem>>
        %dma_start3A = arith.constant 0 : i32
        %dma_start3A_25 = arith.constant 0 : i32
        %dma_start3A_26 = tpu.memref_slice %arg7[%dma_start3A, %dma_start3A_25] : memref<158x128xi32, #tpu.memory_space<vmem>> -> memref<79x128xi32, #tpu.memory_space<vmem>>
        %dma_start3A_27 = arith.constant 0 : i32
        %dma_start3A_28 = arith.constant 0 : i32
        %dma_start3A_29 = tpu.memref_slice %arg3[%mul3A_21, %dma_start3A_27, %dma_start3A_28] : memref<32x79x128xi32, #tpu.memory_space<hbm>> -> memref<1x79x128xi32, #tpu.memory_space<hbm>>
        %dma_start3A_30 = tpu.memref_squeeze %dma_start3A_29 : memref<1x79x128xi32, #tpu.memory_space<hbm>> -> memref<79x128xi32, #tpu.memory_space<hbm>>
        %dma_start3A_31 = arith.constant 0 : i32
        %dma_start3A_32 = arith.constant 0 : i32
        %dma_start3A_33 = tpu.memref_slice %arg7[%dma_start3A_31, %dma_start3A_32] : memref<158x128xi32, #tpu.memory_space<vmem>> -> memref<79x128xi32, #tpu.memory_space<vmem>>
        %dma_start3A_34 = arith.constant 0 : i32
        %dma_start3A_35 = arith.constant 0 : i32
        %dma_start3A_36 = tpu.memref_slice %arg3[%mul3A_21, %dma_start3A_34, %dma_start3A_35] : memref<32x79x128xi32, #tpu.memory_space<hbm>> -> memref<1x79x128xi32, #tpu.memory_space<hbm>>
        %dma_start3A_37 = tpu.memref_squeeze %dma_start3A_36 : memref<1x79x128xi32, #tpu.memory_space<hbm>> -> memref<79x128xi32, #tpu.memory_space<hbm>>
        tpu.enqueue_dma source(%dma_start3A_37 : memref<79x128xi32, #tpu.memory_space<hbm>>) target(%dma_start3A_33 : memref<79x128xi32, #tpu.memory_space<vmem>>) target_semaphore(%run_scoped3A : memref<!tpu.dma_semaphore, #tpu.memory_space<semaphore_mem>>)
        %dma_wait3A = arith.constant 0 : i32
        %dma_wait3A_38 = arith.constant 0 : i32
        %dma_wait3A_39 = tpu.memref_slice %arg7[%dma_wait3A, %dma_wait3A_38] : memref<158x128xi32, #tpu.memory_space<vmem>> -> memref<79x128xi32, #tpu.memory_space<vmem>>
        %dma_wait3A_40 = arith.constant 0 : i32
        %dma_wait3A_41 = arith.constant 0 : i32
        %dma_wait3A_42 = tpu.memref_slice %arg3[%mul3A_21, %dma_wait3A_40, %dma_wait3A_41] : memref<32x79x128xi32, #tpu.memory_space<hbm>> -> memref<1x79x128xi32, #tpu.memory_space<hbm>>
        %dma_wait3A_43 = tpu.memref_squeeze %dma_wait3A_42 : memref<1x79x128xi32, #tpu.memory_space<hbm>> -> memref<79x128xi32, #tpu.memory_space<hbm>>
        %dma_wait3A_44 = arith.constant 0 : i32
        %dma_wait3A_45 = arith.constant 0 : i32
        %dma_wait3A_46 = tpu.memref_slice %arg7[%dma_wait3A_44, %dma_wait3A_45] : memref<158x128xi32, #tpu.memory_space<vmem>> -> memref<79x128xi32, #tpu.memory_space<vmem>>
        %dma_wait3A_47 = arith.constant 0 : i32
        %dma_wait3A_48 = arith.constant 0 : i32
        %dma_wait3A_49 = tpu.memref_slice %arg3[%mul3A_21, %dma_wait3A_47, %dma_wait3A_48] : memref<32x79x128xi32, #tpu.memory_space<hbm>> -> memref<1x79x128xi32, #tpu.memory_space<hbm>>
        %dma_wait3A_50 = tpu.memref_squeeze %dma_wait3A_49 : memref<1x79x128xi32, #tpu.memory_space<hbm>> -> memref<79x128xi32, #tpu.memory_space<hbm>>
        tpu.wait_dma2 semaphore(%run_scoped3A : memref<!tpu.dma_semaphore, #tpu.memory_space<semaphore_mem>>) src(%dma_wait3A_50 : memref<79x128xi32, #tpu.memory_space<hbm>>) dst(%dma_wait3A_46 : memref<79x128xi32, #tpu.memory_space<vmem>>)
        tpu.yield
      }) : () -> ()
      %mul3A_22 = arith.constant 2 : i32
      %mul3A_23 = arith.muli %mul3A_22, %arg1 : i32
      %add3A = arith.constant 1 : i32
      %add3A_24 = arith.addi %mul3A_23, %add3A : i32
      "tpu.region"() ({
        %run_scoped3A = tpu.sem_alloc : memref<!tpu.dma_semaphore, #tpu.memory_space<semaphore_mem>>
        %dma_start3A = arith.constant 79 : i32
        %dma_start3A_25 = arith.constant 0 : i32
        %dma_start3A_26 = tpu.memref_slice %arg7[%dma_start3A, %dma_start3A_25] : memref<158x128xi32, #tpu.memory_space<vmem>> -> memref<79x128xi32, #tpu.memory_space<vmem>>
        %dma_start3A_27 = arith.constant 0 : i32
        %dma_start3A_28 = arith.constant 0 : i32
        %dma_start3A_29 = tpu.memref_slice %arg3[%add3A_24, %dma_start3A_27, %dma_start3A_28] : memref<32x79x128xi32, #tpu.memory_space<hbm>> -> memref<1x79x128xi32, #tpu.memory_space<hbm>>
        %dma_start3A_30 = tpu.memref_squeeze %dma_start3A_29 : memref<1x79x128xi32, #tpu.memory_space<hbm>> -> memref<79x128xi32, #tpu.memory_space<hbm>>
        %dma_start3A_31 = arith.constant 79 : i32
        %dma_start3A_32 = arith.constant 0 : i32
        %dma_start3A_33 = tpu.memref_slice %arg7[%dma_start3A_31, %dma_start3A_32] : memref<158x128xi32, #tpu.memory_space<vmem>> -> memref<79x128xi32, #tpu.memory_space<vmem>>
        %dma_start3A_34 = arith.constant 0 : i32
        %dma_start3A_35 = arith.constant 0 : i32
        %dma_start3A_36 = tpu.memref_slice %arg3[%add3A_24, %dma_start3A_34, %dma_start3A_35] : memref<32x79x128xi32, #tpu.memory_space<hbm>> -> memref<1x79x128xi32, #tpu.memory_space<hbm>>
        %dma_start3A_37 = tpu.memref_squeeze %dma_start3A_36 : memref<1x79x128xi32, #tpu.memory_space<hbm>> -> memref<79x128xi32, #tpu.memory_space<hbm>>
        tpu.enqueue_dma source(%dma_start3A_37 : memref<79x128xi32, #tpu.memory_space<hbm>>) target(%dma_start3A_33 : memref<79x128xi32, #tpu.memory_space<vmem>>) target_semaphore(%run_scoped3A : memref<!tpu.dma_semaphore, #tpu.memory_space<semaphore_mem>>)
        %dma_wait3A = arith.constant 79 : i32
        %dma_wait3A_38 = arith.constant 0 : i32
        %dma_wait3A_39 = tpu.memref_slice %arg7[%dma_wait3A, %dma_wait3A_38] : memref<158x128xi32, #tpu.memory_space<vmem>> -> memref<79x128xi32, #tpu.memory_space<vmem>>
        %dma_wait3A_40 = arith.constant 0 : i32
        %dma_wait3A_41 = arith.constant 0 : i32
        %dma_wait3A_42 = tpu.memref_slice %arg3[%add3A_24, %dma_wait3A_40, %dma_wait3A_41] : memref<32x79x128xi32, #tpu.memory_space<hbm>> -> memref<1x79x128xi32, #tpu.memory_space<hbm>>
        %dma_wait3A_43 = tpu.memref_squeeze %dma_wait3A_42 : memref<1x79x128xi32, #tpu.memory_space<hbm>> -> memref<79x128xi32, #tpu.memory_space<hbm>>
        %dma_wait3A_44 = arith.constant 79 : i32
        %dma_wait3A_45 = arith.constant 0 : i32
        %dma_wait3A_46 = tpu.memref_slice %arg7[%dma_wait3A_44, %dma_wait3A_45] : memref<158x128xi32, #tpu.memory_space<vmem>> -> memref<79x128xi32, #tpu.memory_space<vmem>>
        %dma_wait3A_47 = arith.constant 0 : i32
        %dma_wait3A_48 = arith.constant 0 : i32
        %dma_wait3A_49 = tpu.memref_slice %arg3[%add3A_24, %dma_wait3A_47, %dma_wait3A_48] : memref<32x79x128xi32, #tpu.memory_space<hbm>> -> memref<1x79x128xi32, #tpu.memory_space<hbm>>
        %dma_wait3A_50 = tpu.memref_squeeze %dma_wait3A_49 : memref<1x79x128xi32, #tpu.memory_space<hbm>> -> memref<79x128xi32, #tpu.memory_space<hbm>>
        tpu.wait_dma2 semaphore(%run_scoped3A : memref<!tpu.dma_semaphore, #tpu.memory_space<semaphore_mem>>) src(%dma_wait3A_50 : memref<79x128xi32, #tpu.memory_space<hbm>>) dst(%dma_wait3A_46 : memref<79x128xi32, #tpu.memory_space<vmem>>)
        tpu.yield
      }) : () -> ()
    } else {
    }
    %barrier3A = arith.constant 0 : index
    tpu.barrier barrier_id(%barrier3A)
    %scan3A = arith.constant 0 : i32
    %scan3A_10 = arith.constant 0 : i32
    %scan3A_11 = arith.constant 158 : i32
    %scan3A_12 = arith.addi %scan3A_10, %scan3A_11 : i32
    %scan3A_13 = arith.constant 1 : i32
    scf.for %scan3A_20 = %scan3A_10 to %scan3A_12 step %scan3A_13  : i32 {
      "tpu.region"() ({
        %run_scoped3A = tpu.sem_alloc : memref<!tpu.dma_semaphore, #tpu.memory_space<semaphore_mem>>
        %dma_start3A = arith.constant 0 : i32
        %dma_start3A_21 = tpu.memref_slice %arg7[%scan3A_20, %dma_start3A] : memref<158x128xi32, #tpu.memory_space<vmem>> -> memref<1x128xi32, #tpu.memory_space<vmem>>
        %dma_start3A_22 = tpu.memref_squeeze %dma_start3A_21 : memref<1x128xi32, #tpu.memory_space<vmem>> -> memref<128xi32, #tpu.memory_space<vmem>>
        %dma_start3A_23 = arith.constant 0 : i32
        %dma_start3A_24 = arith.constant 0 : i32
        %dma_start3A_25 = tpu.memref_slice %arg9[%dma_start3A_23, %dma_start3A_24] : memref<10240x128xf32, #tpu.memory_space<vmem_shared>> -> memref<10240x128xf32, #tpu.memory_space<vmem_shared>>
        tpu.enqueue_indirect_dma source(%arg8 : memref<128x128xf32, #tpu.memory_space<vmem>>) target(%dma_start3A_25 : memref<10240x128xf32, #tpu.memory_space<vmem_shared>>) offsets(%dma_start3A_22 : memref<128xi32, #tpu.memory_space<vmem>>) semaphore(%run_scoped3A : memref<!tpu.dma_semaphore, #tpu.memory_space<semaphore_mem>>) {add = true}
        %dma_wait3A = arith.constant 0 : i32
        %dma_wait3A_26 = tpu.memref_slice %arg7[%scan3A_20, %dma_wait3A] : memref<158x128xi32, #tpu.memory_space<vmem>> -> memref<1x128xi32, #tpu.memory_space<vmem>>
        %dma_wait3A_27 = tpu.memref_squeeze %dma_wait3A_26 : memref<1x128xi32, #tpu.memory_space<vmem>> -> memref<128xi32, #tpu.memory_space<vmem>>
        %dma_wait3A_28 = arith.constant 0 : i32
        %dma_wait3A_29 = arith.constant 0 : i32
        %dma_wait3A_30 = tpu.memref_slice %arg9[%dma_wait3A_28, %dma_wait3A_29] : memref<10240x128xf32, #tpu.memory_space<vmem_shared>> -> memref<10240x128xf32, #tpu.memory_space<vmem_shared>>
        tpu.wait_indirect_dma semaphore(%run_scoped3A : memref<!tpu.dma_semaphore, #tpu.memory_space<semaphore_mem>>) src(%arg8 : memref<128x128xf32, #tpu.memory_space<vmem>>) dst(%dma_wait3A_30 : memref<10240x128xf32, #tpu.memory_space<vmem_shared>>)
        tpu.yield
      }) : () -> ()
    }
    %scan3A_14 = arith.constant 158 : i32
    %barrier3A_15 = arith.constant 0 : index
    tpu.barrier barrier_id(%barrier3A_15)
    %mul3A_16 = arith.constant 640 : i32
    %mul3A_17 = arith.muli %arg1, %mul3A_16 : i32
    %mul3A_18 = arith.constant 640 : i32
    %mul3A_19 = arith.muli %arg1, %mul3A_18 : i32
    "tpu.region"() ({
      %run_scoped3A = tpu.sem_alloc : memref<!tpu.dma_semaphore, #tpu.memory_space<semaphore_mem>>
      %dma_start3A = arith.constant 0 : i32
      %dma_start3A_20 = tpu.memref_slice %arg6[%arg0, %mul3A_19, %dma_start3A] : memref<2x10240x128xf32, #tpu.memory_space<hbm>> -> memref<1x640x128xf32, #tpu.memory_space<hbm>>
      %dma_start3A_21 = tpu.memref_squeeze %dma_start3A_20 : memref<1x640x128xf32, #tpu.memory_space<hbm>> -> memref<640x128xf32, #tpu.memory_space<hbm>>
      %dma_start3A_22 = arith.constant 0 : i32
      %dma_start3A_23 = tpu.memref_slice %arg9[%mul3A_17, %dma_start3A_22] : memref<10240x128xf32, #tpu.memory_space<vmem_shared>> -> memref<640x128xf32, #tpu.memory_space<vmem_shared>>
      tpu.enqueue_dma source(%dma_start3A_23 : memref<640x128xf32, #tpu.memory_space<vmem_shared>>) target(%dma_start3A_21 : memref<640x128xf32, #tpu.memory_space<hbm>>) target_semaphore(%run_scoped3A : memref<!tpu.dma_semaphore, #tpu.memory_space<semaphore_mem>>)
      %dma_wait3A = arith.constant 0 : i32
      %dma_wait3A_24 = tpu.memref_slice %arg6[%arg0, %mul3A_19, %dma_wait3A] : memref<2x10240x128xf32, #tpu.memory_space<hbm>> -> memref<1x640x128xf32, #tpu.memory_space<hbm>>
      %dma_wait3A_25 = tpu.memref_squeeze %dma_wait3A_24 : memref<1x640x128xf32, #tpu.memory_space<hbm>> -> memref<640x128xf32, #tpu.memory_space<hbm>>
      %dma_wait3A_26 = arith.constant 0 : i32
      %dma_wait3A_27 = tpu.memref_slice %arg9[%mul3A_17, %dma_wait3A_26] : memref<10240x128xf32, #tpu.memory_space<vmem_shared>> -> memref<640x128xf32, #tpu.memory_space<vmem_shared>>
      tpu.wait_dma2 semaphore(%run_scoped3A : memref<!tpu.dma_semaphore, #tpu.memory_space<semaphore_mem>>) src(%dma_wait3A_27 : memref<640x128xf32, #tpu.memory_space<vmem_shared>>) dst(%dma_wait3A_25 : memref<640x128xf32, #tpu.memory_space<hbm>>)
      tpu.yield
    }) : () -> ()
    return
  }
}

#map = affine_map<(d0, d1) -> (0, 0)>
#map1 = affine_map<(d0, d1) -> (0, 0, 0)>
module attributes {stable_mosaic.version = 14 : i64} {
  func.func @_spmm_body(%arg0: i32, %arg1: i32, %arg2: memref<10240x128xf32, #tpu.memory_space<hbm>>, %arg3: memref<32x79x128xi32, #tpu.memory_space<hbm>>, %arg4: memref<32x79x128xi32, #tpu.memory_space<hbm>>, %arg5: memref<10240x128xf32, #tpu.memory_space<hbm>>, %arg6: memref<2x10240x128xf32, #tpu.memory_space<hbm>>, %arg7: memref<79x128xi32, #tpu.memory_space<vmem>>, %arg8: memref<2x128xi32, #tpu.memory_space<vmem>>, %arg9: memref<2x128x128xf32, #tpu.memory_space<vmem>>, %arg10: memref<!tpu.dma_semaphore, #tpu.memory_space<semaphore_mem>>, %arg11: memref<!tpu.dma_semaphore, #tpu.memory_space<semaphore_mem>>, %arg12: memref<10240x128xf32, #tpu.memory_space<vmem_shared>>) attributes {dimension_semantics = [#tpu.dimension_semantics<core_parallel>, #tpu.dimension_semantics<subcore_parallel>], iteration_bounds = array<i64: 2, 16>, scalar_prefetch = 0 : i64, scratch_operands = 6 : i64, tpu.core_type = #tpu.core_type<sc_vector_subcore>, window_params = [{transform_indices = #map}, {transform_indices = #map1}, {transform_indices = #map1}, {transform_indices = #map}, {transform_indices = #map1}]} {
    %mul3A = arith.constant 2 : i32
    %mul3A_0 = arith.muli %arg1, %mul3A : i32
    %add3A = arith.addi %mul3A_0, %arg0 : i32
    %mul3A_1 = arith.constant 640 : i32
    %mul3A_2 = arith.muli %arg1, %mul3A_1 : i32
    %mul3A_3 = arith.constant 640 : i32
    %mul3A_4 = arith.muli %arg1, %mul3A_3 : i32
    "tpu.region"() ({
      %run_scoped3A_27 = tpu.sem_alloc : memref<!tpu.dma_semaphore, #tpu.memory_space<semaphore_mem>>
      %dma_start3A_28 = arith.constant 0 : i32
      %dma_start3A_29 = tpu.memref_slice %arg12[%mul3A_4, %dma_start3A_28] : memref<10240x128xf32, #tpu.memory_space<vmem_shared>> -> memref<640x128xf32, #tpu.memory_space<vmem_shared>>
      %dma_start3A_30 = arith.constant 0 : i32
      %dma_start3A_31 = tpu.memref_slice %arg5[%mul3A_2, %dma_start3A_30] : memref<10240x128xf32, #tpu.memory_space<hbm>> -> memref<640x128xf32, #tpu.memory_space<hbm>>
      tpu.enqueue_dma source(%dma_start3A_31 : memref<640x128xf32, #tpu.memory_space<hbm>>) target(%dma_start3A_29 : memref<640x128xf32, #tpu.memory_space<vmem_shared>>) target_semaphore(%run_scoped3A_27 : memref<!tpu.dma_semaphore, #tpu.memory_space<semaphore_mem>>)
      %dma_wait3A = arith.constant 0 : i32
      %dma_wait3A_32 = tpu.memref_slice %arg12[%mul3A_4, %dma_wait3A] : memref<10240x128xf32, #tpu.memory_space<vmem_shared>> -> memref<640x128xf32, #tpu.memory_space<vmem_shared>>
      %dma_wait3A_33 = arith.constant 0 : i32
      %dma_wait3A_34 = tpu.memref_slice %arg5[%mul3A_2, %dma_wait3A_33] : memref<10240x128xf32, #tpu.memory_space<hbm>> -> memref<640x128xf32, #tpu.memory_space<hbm>>
      tpu.wait_dma2 semaphore(%run_scoped3A_27 : memref<!tpu.dma_semaphore, #tpu.memory_space<semaphore_mem>>) src(%dma_wait3A_34 : memref<640x128xf32, #tpu.memory_space<hbm>>) dst(%dma_wait3A_32 : memref<640x128xf32, #tpu.memory_space<vmem_shared>>)
      tpu.yield
    }) : () -> ()
    "tpu.region"() ({
      %run_scoped3A_27 = tpu.sem_alloc : memref<!tpu.dma_semaphore, #tpu.memory_space<semaphore_mem>>
      %dma_start3A_28 = arith.constant 0 : i32
      %dma_start3A_29 = arith.constant 0 : i32
      %dma_start3A_30 = tpu.memref_slice %arg3[%add3A, %dma_start3A_28, %dma_start3A_29] : memref<32x79x128xi32, #tpu.memory_space<hbm>> -> memref<1x79x128xi32, #tpu.memory_space<hbm>>
      %dma_start3A_31 = tpu.memref_squeeze %dma_start3A_30 : memref<1x79x128xi32, #tpu.memory_space<hbm>> -> memref<79x128xi32, #tpu.memory_space<hbm>>
      %dma_start3A_32 = arith.constant 0 : i32
      %dma_start3A_33 = arith.constant 0 : i32
      %dma_start3A_34 = tpu.memref_slice %arg3[%add3A, %dma_start3A_32, %dma_start3A_33] : memref<32x79x128xi32, #tpu.memory_space<hbm>> -> memref<1x79x128xi32, #tpu.memory_space<hbm>>
      %dma_start3A_35 = tpu.memref_squeeze %dma_start3A_34 : memref<1x79x128xi32, #tpu.memory_space<hbm>> -> memref<79x128xi32, #tpu.memory_space<hbm>>
      tpu.enqueue_dma source(%dma_start3A_35 : memref<79x128xi32, #tpu.memory_space<hbm>>) target(%arg7 : memref<79x128xi32, #tpu.memory_space<vmem>>) target_semaphore(%run_scoped3A_27 : memref<!tpu.dma_semaphore, #tpu.memory_space<semaphore_mem>>)
      %dma_wait3A = arith.constant 0 : i32
      %dma_wait3A_36 = arith.constant 0 : i32
      %dma_wait3A_37 = tpu.memref_slice %arg3[%add3A, %dma_wait3A, %dma_wait3A_36] : memref<32x79x128xi32, #tpu.memory_space<hbm>> -> memref<1x79x128xi32, #tpu.memory_space<hbm>>
      %dma_wait3A_38 = tpu.memref_squeeze %dma_wait3A_37 : memref<1x79x128xi32, #tpu.memory_space<hbm>> -> memref<79x128xi32, #tpu.memory_space<hbm>>
      %dma_wait3A_39 = arith.constant 0 : i32
      %dma_wait3A_40 = arith.constant 0 : i32
      %dma_wait3A_41 = tpu.memref_slice %arg3[%add3A, %dma_wait3A_39, %dma_wait3A_40] : memref<32x79x128xi32, #tpu.memory_space<hbm>> -> memref<1x79x128xi32, #tpu.memory_space<hbm>>
      %dma_wait3A_42 = tpu.memref_squeeze %dma_wait3A_41 : memref<1x79x128xi32, #tpu.memory_space<hbm>> -> memref<79x128xi32, #tpu.memory_space<hbm>>
      tpu.wait_dma2 semaphore(%run_scoped3A_27 : memref<!tpu.dma_semaphore, #tpu.memory_space<semaphore_mem>>) src(%dma_wait3A_42 : memref<79x128xi32, #tpu.memory_space<hbm>>) dst(%arg7 : memref<79x128xi32, #tpu.memory_space<vmem>>)
      tpu.yield
    }) : () -> ()
    %run_scoped3A = arith.constant 0 : i32
    %run_scoped3A_5 = arith.constant 0 : i32
    "tpu.region"() ({
      %run_scoped3A_27 = tpu.sem_alloc : memref<!tpu.dma_semaphore, #tpu.memory_space<semaphore_mem>>
      %dma_start3A_28 = arith.constant 0 : i32
      %dma_start3A_29 = tpu.memref_slice %arg8[%run_scoped3A_5, %dma_start3A_28] : memref<2x128xi32, #tpu.memory_space<vmem>> -> memref<1x128xi32, #tpu.memory_space<vmem>>
      %dma_start3A_30 = tpu.memref_squeeze %dma_start3A_29 : memref<1x128xi32, #tpu.memory_space<vmem>> -> memref<128xi32, #tpu.memory_space<vmem>>
      %dma_start3A_31 = arith.constant 0 : i32
      %dma_start3A_32 = tpu.memref_slice %arg4[%add3A, %run_scoped3A, %dma_start3A_31] : memref<32x79x128xi32, #tpu.memory_space<hbm>> -> memref<1x1x128xi32, #tpu.memory_space<hbm>>
      %dma_start3A_33 = tpu.memref_squeeze %dma_start3A_32 : memref<1x1x128xi32, #tpu.memory_space<hbm>> -> memref<128xi32, #tpu.memory_space<hbm>>
      %dma_start3A_34 = arith.constant 0 : i32
      %dma_start3A_35 = tpu.memref_slice %arg8[%run_scoped3A_5, %dma_start3A_34] : memref<2x128xi32, #tpu.memory_space<vmem>> -> memref<1x128xi32, #tpu.memory_space<vmem>>
      %dma_start3A_36 = tpu.memref_squeeze %dma_start3A_35 : memref<1x128xi32, #tpu.memory_space<vmem>> -> memref<128xi32, #tpu.memory_space<vmem>>
      %dma_start3A_37 = arith.constant 0 : i32
      %dma_start3A_38 = tpu.memref_slice %arg4[%add3A, %run_scoped3A, %dma_start3A_37] : memref<32x79x128xi32, #tpu.memory_space<hbm>> -> memref<1x1x128xi32, #tpu.memory_space<hbm>>
      %dma_start3A_39 = tpu.memref_squeeze %dma_start3A_38 : memref<1x1x128xi32, #tpu.memory_space<hbm>> -> memref<128xi32, #tpu.memory_space<hbm>>
      tpu.enqueue_dma source(%dma_start3A_39 : memref<128xi32, #tpu.memory_space<hbm>>) target(%dma_start3A_36 : memref<128xi32, #tpu.memory_space<vmem>>) target_semaphore(%run_scoped3A_27 : memref<!tpu.dma_semaphore, #tpu.memory_space<semaphore_mem>>)
      %dma_wait3A = arith.constant 0 : i32
      %dma_wait3A_40 = tpu.memref_slice %arg8[%run_scoped3A_5, %dma_wait3A] : memref<2x128xi32, #tpu.memory_space<vmem>> -> memref<1x128xi32, #tpu.memory_space<vmem>>
      %dma_wait3A_41 = tpu.memref_squeeze %dma_wait3A_40 : memref<1x128xi32, #tpu.memory_space<vmem>> -> memref<128xi32, #tpu.memory_space<vmem>>
      %dma_wait3A_42 = arith.constant 0 : i32
      %dma_wait3A_43 = tpu.memref_slice %arg4[%add3A, %run_scoped3A, %dma_wait3A_42] : memref<32x79x128xi32, #tpu.memory_space<hbm>> -> memref<1x1x128xi32, #tpu.memory_space<hbm>>
      %dma_wait3A_44 = tpu.memref_squeeze %dma_wait3A_43 : memref<1x1x128xi32, #tpu.memory_space<hbm>> -> memref<128xi32, #tpu.memory_space<hbm>>
      %dma_wait3A_45 = arith.constant 0 : i32
      %dma_wait3A_46 = tpu.memref_slice %arg8[%run_scoped3A_5, %dma_wait3A_45] : memref<2x128xi32, #tpu.memory_space<vmem>> -> memref<1x128xi32, #tpu.memory_space<vmem>>
      %dma_wait3A_47 = tpu.memref_squeeze %dma_wait3A_46 : memref<1x128xi32, #tpu.memory_space<vmem>> -> memref<128xi32, #tpu.memory_space<vmem>>
      %dma_wait3A_48 = arith.constant 0 : i32
      %dma_wait3A_49 = tpu.memref_slice %arg4[%add3A, %run_scoped3A, %dma_wait3A_48] : memref<32x79x128xi32, #tpu.memory_space<hbm>> -> memref<1x1x128xi32, #tpu.memory_space<hbm>>
      %dma_wait3A_50 = tpu.memref_squeeze %dma_wait3A_49 : memref<1x1x128xi32, #tpu.memory_space<hbm>> -> memref<128xi32, #tpu.memory_space<hbm>>
      tpu.wait_dma2 semaphore(%run_scoped3A_27 : memref<!tpu.dma_semaphore, #tpu.memory_space<semaphore_mem>>) src(%dma_wait3A_50 : memref<128xi32, #tpu.memory_space<hbm>>) dst(%dma_wait3A_47 : memref<128xi32, #tpu.memory_space<vmem>>)
      tpu.yield
    }) : () -> ()
    %barrier3A = arith.constant 0 : index
    tpu.barrier barrier_id(%barrier3A)
    %dma_start3A = arith.constant 0 : i32
    %dma_start3A_6 = arith.constant 0 : i32
    %dma_start3A_7 = arith.constant 0 : i32
    %dma_start3A_8 = arith.constant 0 : i32
    %dma_start3A_9 = tpu.memref_slice %arg9[%dma_start3A_6, %dma_start3A_7, %dma_start3A_8] : memref<2x128x128xf32, #tpu.memory_space<vmem>> -> memref<1x128x128xf32, #tpu.memory_space<vmem>>
    %dma_start3A_10 = tpu.memref_squeeze %dma_start3A_9 : memref<1x128x128xf32, #tpu.memory_space<vmem>> -> memref<128x128xf32, #tpu.memory_space<vmem>>
    %dma_start3A_11 = arith.constant 0 : i32
    %dma_start3A_12 = tpu.memref_slice %arg7[%dma_start3A, %dma_start3A_11] : memref<79x128xi32, #tpu.memory_space<vmem>> -> memref<1x128xi32, #tpu.memory_space<vmem>>
    %dma_start3A_13 = tpu.memref_squeeze %dma_start3A_12 : memref<1x128xi32, #tpu.memory_space<vmem>> -> memref<128xi32, #tpu.memory_space<vmem>>
    %dma_start3A_14 = arith.constant 0 : i32
    %dma_start3A_15 = arith.constant 0 : i32
    %dma_start3A_16 = tpu.memref_slice %arg2[%dma_start3A_14, %dma_start3A_15] : memref<10240x128xf32, #tpu.memory_space<hbm>> -> memref<10240x128xf32, #tpu.memory_space<hbm>>
    tpu.enqueue_indirect_dma source(%dma_start3A_16 : memref<10240x128xf32, #tpu.memory_space<hbm>>) target(%dma_start3A_10 : memref<128x128xf32, #tpu.memory_space<vmem>>) offsets(%dma_start3A_13 : memref<128xi32, #tpu.memory_space<vmem>>) semaphore(%arg10 : memref<!tpu.dma_semaphore, #tpu.memory_space<semaphore_mem>>)
    %scan3A = arith.constant 0 : i32
    %scan3A_17 = arith.constant 0 : i32
    %scan3A_18 = arith.constant 79 : i32
    %scan3A_19 = arith.addi %scan3A_17, %scan3A_18 : i32
    %scan3A_20 = arith.constant 1 : i32
    scf.for %scan3A_27 = %scan3A_17 to %scan3A_19 step %scan3A_20  : i32 {
      %and3A = arith.constant 1 : i32
      %and3A_28 = arith.andi %scan3A_27, %and3A : i32
      %dma_wait3A = arith.constant 0 : i32
      %dma_wait3A_29 = arith.constant 0 : i32
      %dma_wait3A_30 = tpu.memref_slice %arg9[%and3A_28, %dma_wait3A, %dma_wait3A_29] : memref<2x128x128xf32, #tpu.memory_space<vmem>> -> memref<1x128x128xf32, #tpu.memory_space<vmem>>
      %dma_wait3A_31 = tpu.memref_squeeze %dma_wait3A_30 : memref<1x128x128xf32, #tpu.memory_space<vmem>> -> memref<128x128xf32, #tpu.memory_space<vmem>>
      %dma_wait3A_32 = arith.constant 0 : i32
      %dma_wait3A_33 = tpu.memref_slice %arg7[%scan3A_27, %dma_wait3A_32] : memref<79x128xi32, #tpu.memory_space<vmem>> -> memref<1x128xi32, #tpu.memory_space<vmem>>
      %dma_wait3A_34 = tpu.memref_squeeze %dma_wait3A_33 : memref<1x128xi32, #tpu.memory_space<vmem>> -> memref<128xi32, #tpu.memory_space<vmem>>
      %dma_wait3A_35 = arith.constant 0 : i32
      %dma_wait3A_36 = arith.constant 0 : i32
      %dma_wait3A_37 = tpu.memref_slice %arg2[%dma_wait3A_35, %dma_wait3A_36] : memref<10240x128xf32, #tpu.memory_space<hbm>> -> memref<10240x128xf32, #tpu.memory_space<hbm>>
      tpu.wait_indirect_dma semaphore(%arg10 : memref<!tpu.dma_semaphore, #tpu.memory_space<semaphore_mem>>) src(%dma_wait3A_37 : memref<10240x128xf32, #tpu.memory_space<hbm>>) dst(%dma_wait3A_31 : memref<128x128xf32, #tpu.memory_space<vmem>>)
      %add3A_38 = arith.constant 1 : i32
      %add3A_39 = arith.addi %scan3A_27, %add3A_38 : i32
      %lt3A = arith.constant 79 : i32
      %lt3A_40 = arith.cmpi slt, %add3A_39, %lt3A : i32
      %convert_element_type3A = arith.extui %lt3A_40 : i1 to i32
      %cond3A = arith.constant 0 : i32
      %cond3A_41 = arith.cmpi ne, %convert_element_type3A, %cond3A : i32
      scf.if %cond3A_41 {
        %add3A_53 = arith.constant 1 : i32
        %add3A_54 = arith.addi %scan3A_27, %add3A_53 : i32
        %sub3A = arith.constant 1 : i32
        %sub3A_55 = arith.subi %sub3A, %and3A_28 : i32
        %dma_start3A_56 = arith.constant 0 : i32
        %dma_start3A_57 = arith.constant 0 : i32
        %dma_start3A_58 = tpu.memref_slice %arg9[%sub3A_55, %dma_start3A_56, %dma_start3A_57] : memref<2x128x128xf32, #tpu.memory_space<vmem>> -> memref<1x128x128xf32, #tpu.memory_space<vmem>>
        %dma_start3A_59 = tpu.memref_squeeze %dma_start3A_58 : memref<1x128x128xf32, #tpu.memory_space<vmem>> -> memref<128x128xf32, #tpu.memory_space<vmem>>
        %dma_start3A_60 = arith.constant 0 : i32
        %dma_start3A_61 = tpu.memref_slice %arg7[%add3A_54, %dma_start3A_60] : memref<79x128xi32, #tpu.memory_space<vmem>> -> memref<1x128xi32, #tpu.memory_space<vmem>>
        %dma_start3A_62 = tpu.memref_squeeze %dma_start3A_61 : memref<1x128xi32, #tpu.memory_space<vmem>> -> memref<128xi32, #tpu.memory_space<vmem>>
        %dma_start3A_63 = arith.constant 0 : i32
        %dma_start3A_64 = arith.constant 0 : i32
        %dma_start3A_65 = tpu.memref_slice %arg2[%dma_start3A_63, %dma_start3A_64] : memref<10240x128xf32, #tpu.memory_space<hbm>> -> memref<10240x128xf32, #tpu.memory_space<hbm>>
        tpu.enqueue_indirect_dma source(%dma_start3A_65 : memref<10240x128xf32, #tpu.memory_space<hbm>>) target(%dma_start3A_59 : memref<128x128xf32, #tpu.memory_space<vmem>>) offsets(%dma_start3A_62 : memref<128xi32, #tpu.memory_space<vmem>>) semaphore(%arg10 : memref<!tpu.dma_semaphore, #tpu.memory_space<semaphore_mem>>)
      } else {
      }
      %gt3A = arith.constant 0 : i32
      %gt3A_42 = arith.cmpi sgt, %scan3A_27, %gt3A : i32
      %convert_element_type3A_43 = arith.extui %gt3A_42 : i1 to i32
      %cond3A_44 = arith.constant 0 : i32
      %cond3A_45 = arith.cmpi ne, %convert_element_type3A_43, %cond3A_44 : i32
      scf.if %cond3A_45 {
        %dma_wait3A_53 = arith.constant 0 : i32
        %dma_wait3A_54 = tpu.memref_slice %arg8[%and3A_28, %dma_wait3A_53] : memref<2x128xi32, #tpu.memory_space<vmem>> -> memref<1x128xi32, #tpu.memory_space<vmem>>
        %dma_wait3A_55 = tpu.memref_squeeze %dma_wait3A_54 : memref<1x128xi32, #tpu.memory_space<vmem>> -> memref<128xi32, #tpu.memory_space<vmem>>
        %dma_wait3A_56 = arith.constant 0 : i32
        %dma_wait3A_57 = tpu.memref_slice %arg4[%add3A, %scan3A_27, %dma_wait3A_56] : memref<32x79x128xi32, #tpu.memory_space<hbm>> -> memref<1x1x128xi32, #tpu.memory_space<hbm>>
        %dma_wait3A_58 = tpu.memref_squeeze %dma_wait3A_57 : memref<1x1x128xi32, #tpu.memory_space<hbm>> -> memref<128xi32, #tpu.memory_space<hbm>>
        %dma_wait3A_59 = arith.constant 0 : i32
        %dma_wait3A_60 = tpu.memref_slice %arg8[%and3A_28, %dma_wait3A_59] : memref<2x128xi32, #tpu.memory_space<vmem>> -> memref<1x128xi32, #tpu.memory_space<vmem>>
        %dma_wait3A_61 = tpu.memref_squeeze %dma_wait3A_60 : memref<1x128xi32, #tpu.memory_space<vmem>> -> memref<128xi32, #tpu.memory_space<vmem>>
        %dma_wait3A_62 = arith.constant 0 : i32
        %dma_wait3A_63 = tpu.memref_slice %arg4[%add3A, %scan3A_27, %dma_wait3A_62] : memref<32x79x128xi32, #tpu.memory_space<hbm>> -> memref<1x1x128xi32, #tpu.memory_space<hbm>>
        %dma_wait3A_64 = tpu.memref_squeeze %dma_wait3A_63 : memref<1x1x128xi32, #tpu.memory_space<hbm>> -> memref<128xi32, #tpu.memory_space<hbm>>
        tpu.wait_dma2 semaphore(%arg11 : memref<!tpu.dma_semaphore, #tpu.memory_space<semaphore_mem>>) src(%dma_wait3A_64 : memref<128xi32, #tpu.memory_space<hbm>>) dst(%dma_wait3A_61 : memref<128xi32, #tpu.memory_space<vmem>>)
      } else {
      }
      %add3A_46 = arith.constant 1 : i32
      %add3A_47 = arith.addi %scan3A_27, %add3A_46 : i32
      %lt3A_48 = arith.constant 79 : i32
      %lt3A_49 = arith.cmpi slt, %add3A_47, %lt3A_48 : i32
      %convert_element_type3A_50 = arith.extui %lt3A_49 : i1 to i32
      %cond3A_51 = arith.constant 0 : i32
      %cond3A_52 = arith.cmpi ne, %convert_element_type3A_50, %cond3A_51 : i32
      scf.if %cond3A_52 {
        %add3A_53 = arith.constant 1 : i32
        %add3A_54 = arith.addi %scan3A_27, %add3A_53 : i32
        %sub3A = arith.constant 1 : i32
        %sub3A_55 = arith.subi %sub3A, %and3A_28 : i32
        %dma_start3A_56 = arith.constant 0 : i32
        %dma_start3A_57 = tpu.memref_slice %arg8[%sub3A_55, %dma_start3A_56] : memref<2x128xi32, #tpu.memory_space<vmem>> -> memref<1x128xi32, #tpu.memory_space<vmem>>
        %dma_start3A_58 = tpu.memref_squeeze %dma_start3A_57 : memref<1x128xi32, #tpu.memory_space<vmem>> -> memref<128xi32, #tpu.memory_space<vmem>>
        %dma_start3A_59 = arith.constant 0 : i32
        %dma_start3A_60 = tpu.memref_slice %arg4[%add3A, %add3A_54, %dma_start3A_59] : memref<32x79x128xi32, #tpu.memory_space<hbm>> -> memref<1x1x128xi32, #tpu.memory_space<hbm>>
        %dma_start3A_61 = tpu.memref_squeeze %dma_start3A_60 : memref<1x1x128xi32, #tpu.memory_space<hbm>> -> memref<128xi32, #tpu.memory_space<hbm>>
        %dma_start3A_62 = arith.constant 0 : i32
        %dma_start3A_63 = tpu.memref_slice %arg8[%sub3A_55, %dma_start3A_62] : memref<2x128xi32, #tpu.memory_space<vmem>> -> memref<1x128xi32, #tpu.memory_space<vmem>>
        %dma_start3A_64 = tpu.memref_squeeze %dma_start3A_63 : memref<1x128xi32, #tpu.memory_space<vmem>> -> memref<128xi32, #tpu.memory_space<vmem>>
        %dma_start3A_65 = arith.constant 0 : i32
        %dma_start3A_66 = tpu.memref_slice %arg4[%add3A, %add3A_54, %dma_start3A_65] : memref<32x79x128xi32, #tpu.memory_space<hbm>> -> memref<1x1x128xi32, #tpu.memory_space<hbm>>
        %dma_start3A_67 = tpu.memref_squeeze %dma_start3A_66 : memref<1x1x128xi32, #tpu.memory_space<hbm>> -> memref<128xi32, #tpu.memory_space<hbm>>
        tpu.enqueue_dma source(%dma_start3A_67 : memref<128xi32, #tpu.memory_space<hbm>>) target(%dma_start3A_64 : memref<128xi32, #tpu.memory_space<vmem>>) target_semaphore(%arg11 : memref<!tpu.dma_semaphore, #tpu.memory_space<semaphore_mem>>)
      } else {
      }
      "tpu.region"() ({
        %run_scoped3A_53 = tpu.sem_alloc : memref<!tpu.dma_semaphore, #tpu.memory_space<semaphore_mem>>
        %dma_start3A_54 = arith.constant 0 : i32
        %dma_start3A_55 = arith.constant 0 : i32
        %dma_start3A_56 = tpu.memref_slice %arg9[%and3A_28, %dma_start3A_54, %dma_start3A_55] : memref<2x128x128xf32, #tpu.memory_space<vmem>> -> memref<1x128x128xf32, #tpu.memory_space<vmem>>
        %dma_start3A_57 = tpu.memref_squeeze %dma_start3A_56 : memref<1x128x128xf32, #tpu.memory_space<vmem>> -> memref<128x128xf32, #tpu.memory_space<vmem>>
        %dma_start3A_58 = arith.constant 0 : i32
        %dma_start3A_59 = tpu.memref_slice %arg8[%and3A_28, %dma_start3A_58] : memref<2x128xi32, #tpu.memory_space<vmem>> -> memref<1x128xi32, #tpu.memory_space<vmem>>
        %dma_start3A_60 = tpu.memref_squeeze %dma_start3A_59 : memref<1x128xi32, #tpu.memory_space<vmem>> -> memref<128xi32, #tpu.memory_space<vmem>>
        %dma_start3A_61 = arith.constant 0 : i32
        %dma_start3A_62 = arith.constant 0 : i32
        %dma_start3A_63 = tpu.memref_slice %arg12[%dma_start3A_61, %dma_start3A_62] : memref<10240x128xf32, #tpu.memory_space<vmem_shared>> -> memref<10240x128xf32, #tpu.memory_space<vmem_shared>>
        tpu.enqueue_indirect_dma source(%dma_start3A_57 : memref<128x128xf32, #tpu.memory_space<vmem>>) target(%dma_start3A_63 : memref<10240x128xf32, #tpu.memory_space<vmem_shared>>) offsets(%dma_start3A_60 : memref<128xi32, #tpu.memory_space<vmem>>) semaphore(%run_scoped3A_53 : memref<!tpu.dma_semaphore, #tpu.memory_space<semaphore_mem>>) {add = true}
        %dma_wait3A_64 = arith.constant 0 : i32
        %dma_wait3A_65 = arith.constant 0 : i32
        %dma_wait3A_66 = tpu.memref_slice %arg9[%and3A_28, %dma_wait3A_64, %dma_wait3A_65] : memref<2x128x128xf32, #tpu.memory_space<vmem>> -> memref<1x128x128xf32, #tpu.memory_space<vmem>>
        %dma_wait3A_67 = tpu.memref_squeeze %dma_wait3A_66 : memref<1x128x128xf32, #tpu.memory_space<vmem>> -> memref<128x128xf32, #tpu.memory_space<vmem>>
        %dma_wait3A_68 = arith.constant 0 : i32
        %dma_wait3A_69 = tpu.memref_slice %arg8[%and3A_28, %dma_wait3A_68] : memref<2x128xi32, #tpu.memory_space<vmem>> -> memref<1x128xi32, #tpu.memory_space<vmem>>
        %dma_wait3A_70 = tpu.memref_squeeze %dma_wait3A_69 : memref<1x128xi32, #tpu.memory_space<vmem>> -> memref<128xi32, #tpu.memory_space<vmem>>
        %dma_wait3A_71 = arith.constant 0 : i32
        %dma_wait3A_72 = arith.constant 0 : i32
        %dma_wait3A_73 = tpu.memref_slice %arg12[%dma_wait3A_71, %dma_wait3A_72] : memref<10240x128xf32, #tpu.memory_space<vmem_shared>> -> memref<10240x128xf32, #tpu.memory_space<vmem_shared>>
        tpu.wait_indirect_dma semaphore(%run_scoped3A_53 : memref<!tpu.dma_semaphore, #tpu.memory_space<semaphore_mem>>) src(%dma_wait3A_67 : memref<128x128xf32, #tpu.memory_space<vmem>>) dst(%dma_wait3A_73 : memref<10240x128xf32, #tpu.memory_space<vmem_shared>>)
        tpu.yield
      }) : () -> ()
    }
    %scan3A_21 = arith.constant 79 : i32
    %barrier3A_22 = arith.constant 0 : index
    tpu.barrier barrier_id(%barrier3A_22)
    %mul3A_23 = arith.constant 640 : i32
    %mul3A_24 = arith.muli %arg1, %mul3A_23 : i32
    %mul3A_25 = arith.constant 640 : i32
    %mul3A_26 = arith.muli %arg1, %mul3A_25 : i32
    "tpu.region"() ({
      %run_scoped3A_27 = tpu.sem_alloc : memref<!tpu.dma_semaphore, #tpu.memory_space<semaphore_mem>>
      %dma_start3A_28 = arith.constant 0 : i32
      %dma_start3A_29 = tpu.memref_slice %arg6[%arg0, %mul3A_26, %dma_start3A_28] : memref<2x10240x128xf32, #tpu.memory_space<hbm>> -> memref<1x640x128xf32, #tpu.memory_space<hbm>>
      %dma_start3A_30 = tpu.memref_squeeze %dma_start3A_29 : memref<1x640x128xf32, #tpu.memory_space<hbm>> -> memref<640x128xf32, #tpu.memory_space<hbm>>
      %dma_start3A_31 = arith.constant 0 : i32
      %dma_start3A_32 = tpu.memref_slice %arg12[%mul3A_24, %dma_start3A_31] : memref<10240x128xf32, #tpu.memory_space<vmem_shared>> -> memref<640x128xf32, #tpu.memory_space<vmem_shared>>
      tpu.enqueue_dma source(%dma_start3A_32 : memref<640x128xf32, #tpu.memory_space<vmem_shared>>) target(%dma_start3A_30 : memref<640x128xf32, #tpu.memory_space<hbm>>) target_semaphore(%run_scoped3A_27 : memref<!tpu.dma_semaphore, #tpu.memory_space<semaphore_mem>>)
      %dma_wait3A = arith.constant 0 : i32
      %dma_wait3A_33 = tpu.memref_slice %arg6[%arg0, %mul3A_26, %dma_wait3A] : memref<2x10240x128xf32, #tpu.memory_space<hbm>> -> memref<1x640x128xf32, #tpu.memory_space<hbm>>
      %dma_wait3A_34 = tpu.memref_squeeze %dma_wait3A_33 : memref<1x640x128xf32, #tpu.memory_space<hbm>> -> memref<640x128xf32, #tpu.memory_space<hbm>>
      %dma_wait3A_35 = arith.constant 0 : i32
      %dma_wait3A_36 = tpu.memref_slice %arg12[%mul3A_24, %dma_wait3A_35] : memref<10240x128xf32, #tpu.memory_space<vmem_shared>> -> memref<640x128xf32, #tpu.memory_space<vmem_shared>>
      tpu.wait_dma2 semaphore(%run_scoped3A_27 : memref<!tpu.dma_semaphore, #tpu.memory_space<semaphore_mem>>) src(%dma_wait3A_36 : memref<640x128xf32, #tpu.memory_space<vmem_shared>>) dst(%dma_wait3A_34 : memref<640x128xf32, #tpu.memory_space<hbm>>)
      tpu.yield
    }) : () -> ()
    return
  }
}

module attributes {stable_mosaic.version = 14 : i64} {
  func.func @_prep_body(%arg0: i32, %arg1: memref<512x128xf32, #tpu.memory_space<vmem>>, %arg2: memref<128x384xf32, #tpu.memory_space<vmem>>, %arg3: memref<2x512x128xf32, #tpu.memory_space<vmem>>, %arg4: memref<512x384xf32, #tpu.memory_space<vmem>>, %arg5: memref<512x128xf32, #tpu.memory_space<vmem>>) attributes {dimension_semantics = [#tpu.dimension_semantics<arbitrary>], iteration_bounds = array<i64: 20>, scalar_prefetch = 0 : i64, scratch_operands = 0 : i64, tpu.core_type = #tpu.core_type<tc>, window_params = [{transform_indices = @transform_0, window_bounds = array<i64: 512, 128>}, {pipeline_mode = #tpu.pipeline_mode<synchronous>, transform_indices = @transform_1, window_bounds = array<i64: 128, 384>}, {transform_indices = @transform_2, window_bounds = array<i64: 2, 512, 128>}, {transform_indices = @transform_3, window_bounds = array<i64: 512, 384>}, {transform_indices = @transform_4, window_bounds = array<i64: 512, 128>}]} {
    %get3A = arith.constant 0 : index
    %get3A_0 = arith.constant 0 : index
    %get3A_1 = vector.load %arg1[%get3A, %get3A_0] : memref<512x128xf32, #tpu.memory_space<vmem>>, vector<512x128xf32>
    %get3A_2 = arith.constant 0 : index
    %get3A_3 = arith.constant 0 : index
    %get3A_4 = vector.load %arg2[%get3A_2, %get3A_3] : memref<128x384xf32, #tpu.memory_space<vmem>>, vector<128x384xf32>
    %dot_general3A = arith.constant dense<0.000000e+00> : vector<512x384xf32>
    %dot_general3A_5 = tpu.matmul %get3A_1, %get3A_4, %dot_general3A {dimension_numbers = #tpu.dot_dimension_numbers<[1], [0], [0], [1], [0, 0, 1, 1], [], []>, precision = #tpu.contract_precision<fp32>, transpose_lhs_hint = false} : vector<512x128xf32>, vector<128x384xf32>, vector<512x384xf32> -> vector<512x384xf32>
    %swap3A = arith.constant 0 : index
    %swap3A_6 = arith.constant 0 : index
    %swap3A_7 = vector.load %arg4[%swap3A, %swap3A_6] : memref<512x384xf32, #tpu.memory_space<vmem>>, vector<512x384xf32>
    tpu.vector_store %arg4[%swap3A, %swap3A_6], %dot_general3A_5 {strides = array<i32>} : memref<512x384xf32, #tpu.memory_space<vmem>>, vector<512x384xf32>,
    %slice3A = vector.extract_strided_slice %dot_general3A_5 {offsets = [0, 256], sizes = [512, 128], strides = [1, 1]} : vector<512x384xf32> to vector<512x128xf32>
    %mul3A = arith.constant 4.000000e+00 : f32
    %mul3A_8 = vector.broadcast %mul3A : f32 to vector<512x128xf32>
    %mul3A_9 = arith.mulf %mul3A_8, %slice3A : vector<512x128xf32>
    %get3A_10 = arith.constant 0 : index
    %get3A_11 = arith.constant 0 : index
    %get3A_12 = arith.constant 0 : index
    %get3A_13 = vector.load %arg3[%get3A_10, %get3A_11, %get3A_12] : memref<2x512x128xf32, #tpu.memory_space<vmem>>, vector<2x512x128xf32>
    %slice3A_14 = vector.extract_strided_slice %get3A_13 {offsets = [0, 0, 0], sizes = [1, 512, 1], strides = [1, 1, 1]} : vector<2x512x128xf32> to vector<1x512x1xf32>
    %squeeze3A = vector.shape_cast %slice3A_14 : vector<1x512x1xf32> to vector<512xf32>
    %max3A = arith.constant 1.000000e+00 : f32
    %max3A_15 = vector.broadcast %max3A : f32 to vector<512xf32>
    %max3A_16 = arith.maximumf %squeeze3A, %max3A_15 : vector<512xf32>
    %sqrt3A = math.sqrt %max3A_16 : vector<512xf32>
    %div3A = arith.constant 1.000000e+00 : f32
    %div3A_17 = vector.broadcast %div3A : f32 to vector<512xf32>
    %div3A_18 = arith.divf %div3A_17, %sqrt3A : vector<512xf32>
    %broadcast_in_dim3A = vector.shape_cast %div3A_18 : vector<512xf32> to vector<512x1xf32>
    %mul3A_19 = vector.broadcast %broadcast_in_dim3A : vector<512x1xf32> to vector<512x128xf32>
    %mul3A_20 = arith.mulf %mul3A_9, %mul3A_19 : vector<512x128xf32>
    %swap3A_21 = arith.constant 0 : index
    %swap3A_22 = arith.constant 0 : index
    %swap3A_23 = vector.load %arg5[%swap3A_21, %swap3A_22] : memref<512x128xf32, #tpu.memory_space<vmem>>, vector<512x128xf32>
    tpu.vector_store %arg5[%swap3A_21, %swap3A_22], %mul3A_20 {strides = array<i32>} : memref<512x128xf32, #tpu.memory_space<vmem>>, vector<512x128xf32>,
    return
  }
  func.func @transform_0(%arg0: i32) -> (i32, i32) {
    %c0_i32 = arith.constant 0 : i32
    %c0_i32_0 = arith.constant 0 : i32
    return %arg0, %c0_i32 : i32, i32
  }
  func.func @transform_1(%arg0: i32) -> (i32, i32) {
    %c0_i32 = arith.constant 0 : i32
    %c0_i32_0 = arith.constant 0 : i32
    %c0_i32_1 = arith.constant 0 : i32
    return %c0_i32, %c0_i32_0 : i32, i32
  }
  func.func @transform_2(%arg0: i32) -> (i32, i32, i32) {
    %c0_i32 = arith.constant 0 : i32
    %c0_i32_0 = arith.constant 0 : i32
    %c0_i32_1 = arith.constant 0 : i32
    return %c0_i32, %arg0, %c0_i32_0 : i32, i32, i32
  }
  func.func @transform_3(%arg0: i32) -> (i32, i32) {
    %c0_i32 = arith.constant 0 : i32
    %c0_i32_0 = arith.constant 0 : i32
    return %arg0, %c0_i32 : i32, i32
  }
  func.func @transform_4(%arg0: i32) -> (i32, i32) {
    %c0_i32 = arith.constant 0 : i32
    %c0_i32_0 = arith.constant 0 : i32
    return %arg0, %c0_i32 : i32, i32
  }
}

module attributes {stable_mosaic.version = 14 : i64} {
  func.func @_combine_body(%arg0: i32, %arg1: memref<512x384xf32, #tpu.memory_space<vmem>>, %arg2: memref<2x512x128xf32, #tpu.memory_space<vmem>>, %arg3: memref<2x512x128xf32, #tpu.memory_space<vmem>>, %arg4: memref<512x128xf32, #tpu.memory_space<vmem>>) attributes {dimension_semantics = [#tpu.dimension_semantics<arbitrary>], iteration_bounds = array<i64: 20>, scalar_prefetch = 0 : i64, scratch_operands = 0 : i64, tpu.core_type = #tpu.core_type<tc>, window_params = [{transform_indices = @transform_0, window_bounds = array<i64: 512, 384>}, {transform_indices = @transform_1, window_bounds = array<i64: 2, 512, 128>}, {transform_indices = @transform_2, window_bounds = array<i64: 2, 512, 128>}, {transform_indices = @transform_3, window_bounds = array<i64: 512, 128>}]} {
    %get3A = arith.constant 0 : index
    %get3A_0 = arith.constant 0 : index
    %get3A_1 = arith.constant 0 : index
    %get3A_2 = vector.load %arg3[%get3A, %get3A_0, %get3A_1] : memref<2x512x128xf32, #tpu.memory_space<vmem>>, vector<2x512x128xf32>
    %slice3A = vector.extract_strided_slice %get3A_2 {offsets = [1, 0, 0], sizes = [1, 512, 1], strides = [1, 1, 1]} : vector<2x512x128xf32> to vector<1x512x1xf32>
    %squeeze3A = vector.shape_cast %slice3A : vector<1x512x1xf32> to vector<512xf32>
    %max3A = arith.constant 1.000000e+00 : f32
    %max3A_3 = vector.broadcast %max3A : f32 to vector<512xf32>
    %max3A_4 = arith.maximumf %squeeze3A, %max3A_3 : vector<512xf32>
    %sqrt3A = math.sqrt %max3A_4 : vector<512xf32>
    %div3A = arith.constant 1.000000e+00 : f32
    %div3A_5 = vector.broadcast %div3A : f32 to vector<512xf32>
    %div3A_6 = arith.divf %div3A_5, %sqrt3A : vector<512xf32>
    %broadcast_in_dim3A = vector.shape_cast %div3A_6 : vector<512xf32> to vector<512x1xf32>
    %neg3A = arith.constant 0.000000e+00 : f32
    %neg3A_7 = vector.broadcast %neg3A : f32 to vector<512x1xf32>
    %neg3A_8 = arith.subf %neg3A_7, %broadcast_in_dim3A : vector<512x1xf32>
    %get3A_9 = arith.constant 0 : index
    %get3A_10 = arith.constant 0 : index
    %get3A_11 = arith.constant 0 : index
    %get3A_12 = vector.load %arg2[%get3A_9, %get3A_10, %get3A_11] : memref<2x512x128xf32, #tpu.memory_space<vmem>>, vector<1x512x128xf32>
    %get3A_13 = vector.shape_cast %get3A_12 : vector<1x512x128xf32> to vector<512x128xf32>
    %get3A_14 = arith.constant 1 : index
    %get3A_15 = arith.constant 0 : index
    %get3A_16 = arith.constant 0 : index
    %get3A_17 = vector.load %arg2[%get3A_14, %get3A_15, %get3A_16] : memref<2x512x128xf32, #tpu.memory_space<vmem>>, vector<1x512x128xf32>
    %get3A_18 = vector.shape_cast %get3A_17 : vector<1x512x128xf32> to vector<512x128xf32>
    %add3A = arith.addf %get3A_13, %get3A_18 : vector<512x128xf32>
    %mul3A = vector.broadcast %neg3A_8 : vector<512x1xf32> to vector<512x128xf32>
    %mul3A_19 = arith.mulf %mul3A, %add3A : vector<512x128xf32>
    %get3A_20 = arith.constant 0 : index
    %get3A_21 = arith.constant 128 : index
    %get3A_22 = vector.load %arg1[%get3A_20, %get3A_21] : memref<512x384xf32, #tpu.memory_space<vmem>>, vector<512x128xf32>
    %mul3A_23 = arith.constant 2.000000e+00 : f32
    %mul3A_24 = vector.broadcast %mul3A_23 : f32 to vector<512x128xf32>
    %mul3A_25 = arith.mulf %mul3A_24, %get3A_22 : vector<512x128xf32>
    %add3A_26 = arith.addf %mul3A_25, %mul3A_19 : vector<512x128xf32>
    %slice3A_27 = vector.extract_strided_slice %get3A_2 {offsets = [0, 0, 0], sizes = [1, 512, 1], strides = [1, 1, 1]} : vector<2x512x128xf32> to vector<1x512x1xf32>
    %squeeze3A_28 = vector.shape_cast %slice3A_27 : vector<1x512x1xf32> to vector<512xf32>
    %max3A_29 = arith.constant 1.000000e+00 : f32
    %max3A_30 = vector.broadcast %max3A_29 : f32 to vector<512xf32>
    %max3A_31 = arith.maximumf %squeeze3A_28, %max3A_30 : vector<512xf32>
    %sqrt3A_32 = math.sqrt %max3A_31 : vector<512xf32>
    %div3A_33 = arith.constant 1.000000e+00 : f32
    %div3A_34 = vector.broadcast %div3A_33 : f32 to vector<512xf32>
    %div3A_35 = arith.divf %div3A_34, %sqrt3A_32 : vector<512xf32>
    %broadcast_in_dim3A_36 = vector.shape_cast %div3A_35 : vector<512xf32> to vector<512x1xf32>
    %mul3A_37 = vector.broadcast %broadcast_in_dim3A_36 : vector<512x1xf32> to vector<512x128xf32>
    %mul3A_38 = arith.mulf %mul3A_37, %add3A_26 : vector<512x128xf32>
    %swap3A = arith.constant 0 : index
    %swap3A_39 = arith.constant 0 : index
    %swap3A_40 = vector.load %arg4[%swap3A, %swap3A_39] : memref<512x128xf32, #tpu.memory_space<vmem>>, vector<512x128xf32>
    tpu.vector_store %arg4[%swap3A, %swap3A_39], %mul3A_38 {strides = array<i32>} : memref<512x128xf32, #tpu.memory_space<vmem>>, vector<512x128xf32>,
    return
  }
  func.func @transform_0(%arg0: i32) -> (i32, i32) {
    %c0_i32 = arith.constant 0 : i32
    %c0_i32_0 = arith.constant 0 : i32
    return %arg0, %c0_i32 : i32, i32
  }
  func.func @transform_1(%arg0: i32) -> (i32, i32, i32) {
    %c0_i32 = arith.constant 0 : i32
    %c0_i32_0 = arith.constant 0 : i32
    %c0_i32_1 = arith.constant 0 : i32
    return %c0_i32, %arg0, %c0_i32_0 : i32, i32, i32
  }
  func.func @transform_2(%arg0: i32) -> (i32, i32, i32) {
    %c0_i32 = arith.constant 0 : i32
    %c0_i32_0 = arith.constant 0 : i32
    %c0_i32_1 = arith.constant 0 : i32
    return %c0_i32, %arg0, %c0_i32_0 : i32, i32, i32
  }
  func.func @transform_3(%arg0: i32) -> (i32, i32) {
    %c0_i32 = arith.constant 0 : i32
    %c0_i32_0 = arith.constant 0 : i32
    return %arg0, %c0_i32 : i32, i32
  }
}

module attributes {stable_mosaic.version = 14 : i64} {
  func.func @_combine_body(%arg0: i32, %arg1: memref<512x384xf32, #tpu.memory_space<vmem>>, %arg2: memref<2x512x128xf32, #tpu.memory_space<vmem>>, %arg3: memref<2x512x128xf32, #tpu.memory_space<vmem>>, %arg4: memref<512x128xf32, #tpu.memory_space<vmem>>) attributes {dimension_semantics = [#tpu.dimension_semantics<arbitrary>], iteration_bounds = array<i64: 20>, scalar_prefetch = 0 : i64, scratch_operands = 0 : i64, tpu.core_type = #tpu.core_type<tc>, window_params = [{transform_indices = @transform_0, window_bounds = array<i64: 512, 384>}, {transform_indices = @transform_1, window_bounds = array<i64: 2, 512, 128>}, {transform_indices = @transform_2, window_bounds = array<i64: 2, 512, 128>}, {transform_indices = @transform_3, window_bounds = array<i64: 512, 128>}]} {
    %get3A = arith.constant 0 : index
    %get3A_0 = arith.constant 0 : index
    %get3A_1 = arith.constant 0 : index
    %get3A_2 = vector.load %arg3[%get3A, %get3A_0, %get3A_1] : memref<2x512x128xf32, #tpu.memory_space<vmem>>, vector<2x512x128xf32>
    %slice3A = vector.extract_strided_slice %get3A_2 {offsets = [1, 0, 0], sizes = [1, 512, 1], strides = [1, 1, 1]} : vector<2x512x128xf32> to vector<1x512x1xf32>
    %squeeze3A = vector.shape_cast %slice3A : vector<1x512x1xf32> to vector<512xf32>
    %max3A = arith.constant 1.000000e+00 : f32
    %max3A_3 = vector.broadcast %max3A : f32 to vector<512xf32>
    %max3A_4 = arith.maximumf %squeeze3A, %max3A_3 : vector<512xf32>
    %sqrt3A = math.sqrt %max3A_4 : vector<512xf32>
    %div3A = arith.constant 1.000000e+00 : f32
    %div3A_5 = vector.broadcast %div3A : f32 to vector<512xf32>
    %div3A_6 = arith.divf %div3A_5, %sqrt3A : vector<512xf32>
    %broadcast_in_dim3A = vector.shape_cast %div3A_6 : vector<512xf32> to vector<512x1xf32>
    %neg3A = arith.constant 0.000000e+00 : f32
    %neg3A_7 = vector.broadcast %neg3A : f32 to vector<512x1xf32>
    %neg3A_8 = arith.subf %neg3A_7, %broadcast_in_dim3A : vector<512x1xf32>
    %get3A_9 = arith.constant 0 : index
    %get3A_10 = arith.constant 0 : index
    %get3A_11 = arith.constant 0 : index
    %get3A_12 = vector.load %arg2[%get3A_9, %get3A_10, %get3A_11] : memref<2x512x128xf32, #tpu.memory_space<vmem>>, vector<1x512x128xf32>
    %get3A_13 = vector.shape_cast %get3A_12 : vector<1x512x128xf32> to vector<512x128xf32>
    %get3A_14 = arith.constant 1 : index
    %get3A_15 = arith.constant 0 : index
    %get3A_16 = arith.constant 0 : index
    %get3A_17 = vector.load %arg2[%get3A_14, %get3A_15, %get3A_16] : memref<2x512x128xf32, #tpu.memory_space<vmem>>, vector<1x512x128xf32>
    %get3A_18 = vector.shape_cast %get3A_17 : vector<1x512x128xf32> to vector<512x128xf32>
    %add3A = arith.addf %get3A_13, %get3A_18 : vector<512x128xf32>
    %mul3A = vector.broadcast %neg3A_8 : vector<512x1xf32> to vector<512x128xf32>
    %mul3A_19 = arith.mulf %mul3A, %add3A : vector<512x128xf32>
    %get3A_20 = arith.constant 0 : index
    %get3A_21 = arith.constant 0 : index
    %get3A_22 = vector.load %arg1[%get3A_20, %get3A_21] : memref<512x384xf32, #tpu.memory_space<vmem>>, vector<512x128xf32>
    %mul3A_23 = arith.constant 1.000000e+00 : f32
    %mul3A_24 = vector.broadcast %mul3A_23 : f32 to vector<512x128xf32>
    %mul3A_25 = arith.mulf %mul3A_24, %get3A_22 : vector<512x128xf32>
    %add3A_26 = arith.addf %mul3A_25, %mul3A_19 : vector<512x128xf32>
    %get3A_27 = arith.constant 0 : index
    %get3A_28 = arith.constant 256 : index
    %get3A_29 = vector.load %arg1[%get3A_27, %get3A_28] : memref<512x384xf32, #tpu.memory_space<vmem>>, vector<512x128xf32>
    %mul3A_30 = arith.constant -3.000000e+00 : f32
    %mul3A_31 = vector.broadcast %mul3A_30 : f32 to vector<512x128xf32>
    %mul3A_32 = arith.mulf %mul3A_31, %get3A_29 : vector<512x128xf32>
    %add3A_33 = arith.addf %add3A_26, %mul3A_32 : vector<512x128xf32>
    %slice3A_34 = vector.extract_strided_slice %get3A_2 {offsets = [0, 0, 0], sizes = [1, 512, 1], strides = [1, 1, 1]} : vector<2x512x128xf32> to vector<1x512x1xf32>
    %squeeze3A_35 = vector.shape_cast %slice3A_34 : vector<1x512x1xf32> to vector<512xf32>
    %max3A_36 = arith.constant 1.000000e+00 : f32
    %max3A_37 = vector.broadcast %max3A_36 : f32 to vector<512xf32>
    %max3A_38 = arith.maximumf %squeeze3A_35, %max3A_37 : vector<512xf32>
    %sqrt3A_39 = math.sqrt %max3A_38 : vector<512xf32>
    %div3A_40 = arith.constant 1.000000e+00 : f32
    %div3A_41 = vector.broadcast %div3A_40 : f32 to vector<512xf32>
    %div3A_42 = arith.divf %div3A_41, %sqrt3A_39 : vector<512xf32>
    %broadcast_in_dim3A_43 = vector.shape_cast %div3A_42 : vector<512xf32> to vector<512x1xf32>
    %mul3A_44 = vector.broadcast %broadcast_in_dim3A_43 : vector<512x1xf32> to vector<512x128xf32>
    %mul3A_45 = arith.mulf %mul3A_44, %add3A_33 : vector<512x128xf32>
    %swap3A = arith.constant 0 : index
    %swap3A_46 = arith.constant 0 : index
    %swap3A_47 = vector.load %arg4[%swap3A, %swap3A_46] : memref<512x128xf32, #tpu.memory_space<vmem>>, vector<512x128xf32>
    tpu.vector_store %arg4[%swap3A, %swap3A_46], %mul3A_45 {strides = array<i32>} : memref<512x128xf32, #tpu.memory_space<vmem>>, vector<512x128xf32>,
    return
  }
  func.func @transform_0(%arg0: i32) -> (i32, i32) {
    %c0_i32 = arith.constant 0 : i32
    %c0_i32_0 = arith.constant 0 : i32
    return %arg0, %c0_i32 : i32, i32
  }
  func.func @transform_1(%arg0: i32) -> (i32, i32, i32) {
    %c0_i32 = arith.constant 0 : i32
    %c0_i32_0 = arith.constant 0 : i32
    %c0_i32_1 = arith.constant 0 : i32
    return %c0_i32, %arg0, %c0_i32_0 : i32, i32, i32
  }
  func.func @transform_2(%arg0: i32) -> (i32, i32, i32) {
    %c0_i32 = arith.constant 0 : i32
    %c0_i32_0 = arith.constant 0 : i32
    %c0_i32_1 = arith.constant 0 : i32
    return %c0_i32, %arg0, %c0_i32_0 : i32, i32, i32
  }
  func.func @transform_3(%arg0: i32) -> (i32, i32) {
    %c0_i32 = arith.constant 0 : i32
    %c0_i32_0 = arith.constant 0 : i32
    return %arg0, %c0_i32 : i32, i32
  }
}

module attributes {stable_mosaic.version = 14 : i64} {
  func.func @_final_body(%arg0: i32, %arg1: memref<512x384xf32, #tpu.memory_space<vmem>>, %arg2: memref<2x512x128xf32, #tpu.memory_space<vmem>>, %arg3: memref<2x512x128xf32, #tpu.memory_space<vmem>>, %arg4: memref<1x128xf32, #tpu.memory_space<vmem>>, %arg5: memref<512x128xf32, #tpu.memory_space<vmem>>) attributes {dimension_semantics = [#tpu.dimension_semantics<arbitrary>], iteration_bounds = array<i64: 20>, scalar_prefetch = 0 : i64, scratch_operands = 0 : i64, tpu.core_type = #tpu.core_type<tc>, window_params = [{transform_indices = @transform_0, window_bounds = array<i64: 512, 384>}, {transform_indices = @transform_1, window_bounds = array<i64: 2, 512, 128>}, {transform_indices = @transform_2, window_bounds = array<i64: 2, 512, 128>}, {pipeline_mode = #tpu.pipeline_mode<synchronous>, transform_indices = @transform_3, window_bounds = array<i64: 1, 128>}, {transform_indices = @transform_4, window_bounds = array<i64: 512, 128>}]} {
    %get3A = arith.constant 0 : index
    %get3A_0 = arith.constant 0 : index
    %get3A_1 = arith.constant 0 : index
    %get3A_2 = vector.load %arg3[%get3A, %get3A_0, %get3A_1] : memref<2x512x128xf32, #tpu.memory_space<vmem>>, vector<2x512x128xf32>
    %slice3A = vector.extract_strided_slice %get3A_2 {offsets = [1, 0, 0], sizes = [1, 512, 1], strides = [1, 1, 1]} : vector<2x512x128xf32> to vector<1x512x1xf32>
    %squeeze3A = vector.shape_cast %slice3A : vector<1x512x1xf32> to vector<512xf32>
    %max3A = arith.constant 1.000000e+00 : f32
    %max3A_3 = vector.broadcast %max3A : f32 to vector<512xf32>
    %max3A_4 = arith.maximumf %squeeze3A, %max3A_3 : vector<512xf32>
    %sqrt3A = math.sqrt %max3A_4 : vector<512xf32>
    %div3A = arith.constant 1.000000e+00 : f32
    %div3A_5 = vector.broadcast %div3A : f32 to vector<512xf32>
    %div3A_6 = arith.divf %div3A_5, %sqrt3A : vector<512xf32>
    %broadcast_in_dim3A = vector.shape_cast %div3A_6 : vector<512xf32> to vector<512x1xf32>
    %neg3A = arith.constant 0.000000e+00 : f32
    %neg3A_7 = vector.broadcast %neg3A : f32 to vector<512x1xf32>
    %neg3A_8 = arith.subf %neg3A_7, %broadcast_in_dim3A : vector<512x1xf32>
    %get3A_9 = arith.constant 0 : index
    %get3A_10 = arith.constant 0 : index
    %get3A_11 = arith.constant 0 : index
    %get3A_12 = vector.load %arg2[%get3A_9, %get3A_10, %get3A_11] : memref<2x512x128xf32, #tpu.memory_space<vmem>>, vector<1x512x128xf32>
    %get3A_13 = vector.shape_cast %get3A_12 : vector<1x512x128xf32> to vector<512x128xf32>
    %get3A_14 = arith.constant 1 : index
    %get3A_15 = arith.constant 0 : index
    %get3A_16 = arith.constant 0 : index
    %get3A_17 = vector.load %arg2[%get3A_14, %get3A_15, %get3A_16] : memref<2x512x128xf32, #tpu.memory_space<vmem>>, vector<1x512x128xf32>
    %get3A_18 = vector.shape_cast %get3A_17 : vector<1x512x128xf32> to vector<512x128xf32>
    %add3A = arith.addf %get3A_13, %get3A_18 : vector<512x128xf32>
    %mul3A = vector.broadcast %neg3A_8 : vector<512x1xf32> to vector<512x128xf32>
    %mul3A_19 = arith.mulf %mul3A, %add3A : vector<512x128xf32>
    %get3A_20 = arith.constant 0 : index
    %get3A_21 = arith.constant 128 : index
    %get3A_22 = vector.load %arg1[%get3A_20, %get3A_21] : memref<512x384xf32, #tpu.memory_space<vmem>>, vector<512x128xf32>
    %sub3A = arith.subf %mul3A_19, %get3A_22 : vector<512x128xf32>
    %get3A_23 = arith.constant 0 : index
    %get3A_24 = arith.constant 0 : index
    %get3A_25 = vector.load %arg4[%get3A_23, %get3A_24] : memref<1x128xf32, #tpu.memory_space<vmem>>, vector<1x128xf32>
    %add3A_26 = vector.broadcast %get3A_25 : vector<1x128xf32> to vector<512x128xf32>
    %add3A_27 = arith.addf %sub3A, %add3A_26 : vector<512x128xf32>
    %swap3A = arith.constant 0 : index
    %swap3A_28 = arith.constant 0 : index
    %swap3A_29 = vector.load %arg5[%swap3A, %swap3A_28] : memref<512x128xf32, #tpu.memory_space<vmem>>, vector<512x128xf32>
    tpu.vector_store %arg5[%swap3A, %swap3A_28], %add3A_27 {strides = array<i32>} : memref<512x128xf32, #tpu.memory_space<vmem>>, vector<512x128xf32>,
    return
  }
  func.func @transform_0(%arg0: i32) -> (i32, i32) {
    %c0_i32 = arith.constant 0 : i32
    %c0_i32_0 = arith.constant 0 : i32
    return %arg0, %c0_i32 : i32, i32
  }
  func.func @transform_1(%arg0: i32) -> (i32, i32, i32) {
    %c0_i32 = arith.constant 0 : i32
    %c0_i32_0 = arith.constant 0 : i32
    %c0_i32_1 = arith.constant 0 : i32
    return %c0_i32, %arg0, %c0_i32_0 : i32, i32, i32
  }
  func.func @transform_2(%arg0: i32) -> (i32, i32, i32) {
    %c0_i32 = arith.constant 0 : i32
    %c0_i32_0 = arith.constant 0 : i32
    %c0_i32_1 = arith.constant 0 : i32
    return %c0_i32, %arg0, %c0_i32_0 : i32, i32, i32
  }
  func.func @transform_3(%arg0: i32) -> (i32, i32) {
    %c0_i32 = arith.constant 0 : i32
    %c0_i32_0 = arith.constant 0 : i32
    %c0_i32_1 = arith.constant 0 : i32
    return %c0_i32, %c0_i32_0 : i32, i32
  }
  func.func @transform_4(%arg0: i32) -> (i32, i32) {
    %c0_i32 = arith.constant 0 : i32
    %c0_i32_0 = arith.constant 0 : i32
    return %arg0, %c0_i32 : i32, i32
  }
}

</mosaic_0001>

<sc_bundles>
// kernel: kernel.10.cloned.1.call-start
scs
__scs_entry_jumppad:
0x0: {  	(pc) =	sbr.rel $0x88, $3  }
0x1: {  	(tag) =	ssettag $0x0;
	lr =	simm.s32 $0x1  }
0x2: {  	[smem:$0x3F9D] =	sst lr;
	_ =	strace $0xD0000000  }
0x3: {  	_ = 	snop  }
0x4: {  	_ = 	snop  }
0x5: {  	_ = 	snop  }
0x6: {  	_ = 	snop  }
0x7: {  	_ = 	snop  }
__scs_overlays_trampoline_lowered:
0x8: {  	[smem:$0x3FAC] =	sst s0  }
0x9: {  	[smem:$0x3FAD] =	sst s1  }
0xa: {  	[smem:$0x3FAE] =	sst s2  }
0xb: {  	[smem:$0x3FAF] =	sst s3  }
0xc: {  	[smem:$0x3FB0] =	sst s4  }
0xd: {  	[smem:$0x3FB1] =	sst s5  }
0xe: {  	[smem:$0x3FB2] =	sst s6  }
0xf: {  	[smem:$0x3FB3] =	sst s7  }
0x10: {  	[smem:$0x3FB4] =	sst s8  }
0x11: {  	[smem:$0x3FB5] =	sst s9;
	s0 =	simm.s32 @!p0 $0x0  }
0x12: {  	s1 =	sld [smem:$0x3F9B];
	s0 =	simm.s32 @p0 $0x1  }
0x13: {  	[smem:$0x3FB6] =	sst s0;
	s0 =	simm.s32 @!p1 $0x0  }
0x14: {  	s2 =	sld [smem:$0x3F9A];
	s0 =	simm.s32 @p1 $0x1  }
0x15: {  	[smem:$0x3FB7] =	sst s0;
	s0 =	simm.s32 @!p2 $0x0  }
0x16: {  	s3 =	sld [smem:$0x3FDB];
	s0 =	simm.s32 @p2 $0x1  }
0x17: {  	s4 =	simm.s32 $0x1BF5;
	[smem:$0x3FB9] =	sst s0  }
0x18: {  	s0 =	sld [smem:$0x3F9C];
	_ =	swait.ge [sflag:s4], $0x0  }
0x19: {  	s7 =	sld [smem:$0x3F9D]  }
0x1a: {  	s8 =	sadd.s32 $0xFFFFE003, lr  }
0x1b: {  	s9 =	sadd.s32 $0xFFFFFEF7, lr;
	s5 =	simm.s32 $0xFFFFFFFF;
	p2 =	slt.u32 s8, $0xFFFFF086  }
0x1c: {  	p1 =	slt.u32 s9, $0xF7A;
	s5 =	simm.s32 @!p2 $0x0  }
0x1d: {  	s5 =	simm.s32 @p1 $0x1;
	p0 =	seq.s32 s7, s2  }
0x1e: {  	s7 =	smul.u32 @!p0 $0xF7A, s2;
	p2 =	seq.s32 @!p0 s5, $0x0  }
0x1f: {  	s9 =	smul.u32 $0xF7A, s1;
	s8 =	simm.s32 @!p0 $0x1BF5;
	p2 =	por !p2, p0  }
0x20: {  	[sflag:s8] =	ssyncset.s32 @!p0 $0xFFFFF086;
	s6 =	sadd.s32 @!p0 s3, s7;
	s7 =	simm.s32 @!p0 $0x108  }
0x21: {  	s3 =	sadd.s32 s3, s9;
	s6 =	sadd.s32 @!p0 $0x88, s6;
	s7 =	simm.s32 @p2 $0x1082  }
0x22: {  	[simem:s7], [sflag:s8] =	dma.local @!p0 [hbm:s6], $0xF7A  }
0x23: {  	s9 =	sor.u32 $0xD0000000, s2;
	s6 =	simm.s32 $0x108;
	_ =	swait.ge @!p0 [sflag:s8], $0x0  }
0x24: {  	s3 =	sadd.s32 $0x88, s3;
	s6 =	simm.s32 @!p1 $0x1082;
	[sflag:s4] =	ssyncset.s32 $0xFFFFF086  }
0x25: {  	[simem:s6], [sflag:s4] =	dma.local [hbm:s3], $0xF7A  }
0x26: {  	[smem:$0x3F9D] =	sst s1;
	(tag) =	ssettag s2;
	_ =	strace s9  }
0x27: {  	s1 =	sld [smem:$0x3FAD]  }
0x28: {  	s2 =	sld [smem:$0x3FAE]  }
0x29: {  	s4 =	sld [smem:$0x3FB0]  }
0x2a: {  	p0 =	seq.s32 s5, $0x0;
	s5 =	sld [smem:$0x3FB1]  }
0x2b: {  	s6 =	sld [smem:$0x3FB2]  }
0x2c: {  	s7 =	sld [smem:$0x3FB3]  }
0x2d: {  	s3 =	simm.s32 $0x108;
	s8 =	sld [smem:$0x3FB4]  }
0x2e: {  	s3 =	simm.s32 @!p0 $0x1082;
	s9 =	sld [smem:$0x3FB5]  }
0x2f: {  	lr =	sadd.s32 s0, s3;
	s0 =	sld [smem:$0x3FAC]  }
0x30: {  	s3 =	sld [smem:$0x3FAF]  }
0x31: {  	[smem:$0x3FB8] =	sst s10  }
0x32: {  	s10 =	sld [smem:$0x3FB6];
	_ =	sdelay $0x3  }
0x33: {  	p0 =	seq.s32 s10, $0x1;
	s10 =	sld [smem:$0x3FB8];
	_ =	sdelay $0x3  }
0x34: {  	[smem:$0x3FB8] =	sst s10  }
0x35: {  	s10 =	sld [smem:$0x3FB7];
	_ =	sdelay $0x3  }
0x36: {  	p1 =	seq.s32 s10, $0x1;
	s10 =	sld [smem:$0x3FB8];
	_ =	sdelay $0x3  }
0x37: {  	[smem:$0x3FB8] =	sst s10  }
0x38: {  	s10 =	sld [smem:$0x3FB9]  }
0x39: {  	_ = 	snop;
	(pc) =	sbr.ind lr, $3  }
0x3a: {  	_ = 	snop  }
0x3b: {  	_ = 	snop  }
0x3c: {  	p2 =	seq.s32 s10, $0x1;
	s10 =	sld [smem:$0x3FB8]  }
0x3d: {  	_ =	shalt  }
0x3e: {  	_ =	shalt  }
0x3f: {  	_ =	shalt  }
0x40: {  	_ =	shalt  }
0x41: {  	_ =	shalt  }
0x42: {  	_ =	shalt  }
0x43: {  	_ =	shalt  }
0x44: {  	_ =	shalt  }
0x45: {  	_ =	shalt  }
0x46: {  	_ =	shalt  }
0x47: {  	_ =	shalt  }
0x48: {  	_ =	shalt  }
0x49: {  	_ =	shalt  }
0x4a: {  	_ =	shalt  }
0x4b: {  	_ =	shalt  }
0x4c: {  	_ =	shalt  }
0x4d: {  	_ =	shalt  }
0x4e: {  	_ =	shalt  }
0x4f: {  	_ =	shalt  }
0x50: {  	_ =	shalt  }
0x51: {  	_ =	shalt  }
0x52: {  	_ =	shalt  }
0x53: {  	_ =	shalt  }
0x54: {  	_ =	shalt  }
0x55: {  	_ =	shalt  }
0x56: {  	_ =	shalt  }
0x57: {  	_ =	shalt  }
0x58: {  	_ =	shalt  }
0x59: {  	_ =	shalt  }
0x5a: {  	_ =	shalt  }
0x5b: {  	_ =	shalt  }
0x5c: {  	_ =	shalt  }
0x5d: {  	_ =	shalt  }
0x5e: {  	_ =	shalt  }
0x5f: {  	_ =	shalt  }
0x60: {  	_ =	shalt  }
0x61: {  	_ =	shalt  }
0x62: {  	_ =	shalt  }
0x63: {  	_ =	shalt  }
0x64: {  	_ =	shalt  }
0x65: {  	_ =	shalt  }
0x66: {  	_ =	shalt  }
0x67: {  	_ =	shalt  }
0x68: {  	_ =	shalt  }
0x69: {  	_ =	shalt  }
0x6a: {  	_ =	shalt  }
0x6b: {  	_ =	shalt  }
0x6c: {  	_ =	shalt  }
0x6d: {  	_ =	shalt  }
0x6e: {  	_ =	shalt  }
0x6f: {  	_ =	shalt  }
0x70: {  	_ =	shalt  }
0x71: {  	_ =	shalt  }
0x72: {  	_ =	shalt  }
0x73: {  	_ =	shalt  }
0x74: {  	_ =	shalt  }
0x75: {  	_ =	shalt  }
0x76: {  	_ =	shalt  }
0x77: {  	_ =	shalt  }
0x78: {  	_ =	shalt  }
0x79: {  	_ =	shalt  }
0x7a: {  	_ =	shalt  }
0x7b: {  	_ =	shalt  }
0x7c: {  	_ =	shalt  }
0x7d: {  	_ =	shalt  }
0x7e: {  	_ =	shalt  }
0x7f: {  	_ =	shalt  }
0x80: {  	_ =	shalt  }
0x81: {  	_ =	shalt  }
0x82: {  	_ =	shalt  }
0x83: {  	_ =	shalt  }
0x84: {  	_ =	shalt  }
0x85: {  	_ =	shalt  }
0x86: {  	_ =	shalt  }
0x87: {  	_ =	shalt  }
.Lfunc_end0:
.L_simem_size_0:
called_computation_lowered:
.L_overlay_start_0:
0x88: {  	s2 =	sld [smem:$0x3FD9]  }
0x89: {  	s3 =	sld [smem:$0x3FFE];
	_ =	sdelay $0x1  }
0x8a: {  	s1 =	srdreg.scid  }
0x8b: {  	s0 =	sand.u32 $0x1, s1  }
0x8c: {  	s17 =	sshll.u32 s0, $0xA;
	s2 =	sadd.s32 s3, s2  }
0x8d: {  	s2 =	sadd.s32 s2, s17  }
0x8e: {  	[smem:$0x3FC4] =	sst s2  }
0x8f: {  	_ = 	snop  }
0x90: {  	s2 =	sld [smem:$0x3FD0];
	(tm) =	ssettm $0x1  }
0x91: {  	s18 =	sld [smem:$0x3FFB];
	_ =	sdelay $0x3  }
0x92: {  	_ =	strace s18  }
0x93: {  	s3 =	sld [smem:$0x3FFC];
	_ =	sdelay $0x3  }
0x94: {  	_ =	strace s3  }
0x95: {  	s3 =	sld [smem:$0x3FFD];
	_ =	sdelay $0x3  }
0x96: {  	_ =	strace s3  }
0x97: {  	_ =	strace $0x8FFFFFFF  }
0x98: {  	s19 =	sld [smem:$0x3FDB];
	_ =	sdelay $0x1  }
0x99: {  	s4 =	simm.s32 $_scs_section_size  }
0x9a: {  	s5 =	simm.s32 $_size__tile_overlayer_lowered;
	s6 =	simm.s32 $_tile_overlayer_lowered  }
0x9b: {  	s22 =	simm.s32 $0x1BFF;
	s21 =	sshll.u32 s6, $0x1;
	s3 =	sadd.s32 s4, s19  }
0x9c: {  	s7 =	simm.s32 $0x0;
	s20 =	sshll.u32 s5, $0x1;
	s5 =	sadd.s32 s21, s3  }
0x9d: {  	[timem:s7], [sflag:s22] =	dma.local [hbm:s5], s20  }
0x9e: {  	_ =	swait.ge [sflag:s22], s20  }
0x9f: {  	s4 =	ssub.s32 $0x0, s20;
	[sflag:s22] =	ssyncset.done $0x0  }
0xa0: {  	[sflag:s22] =	ssyncadd.s32 s4;
	_ =	sdelay $0x1  }
0xa1: {  	s23 =	simm.s32 $0x1B8B  }
0xa2: {  	_ =	swait.ge [sflag:s23], $0x1  }
0xa3: {  	[sflag:s23] =	ssyncset.done $0x0  }
0xa4: {  	s25 =	simm.s32 $0x1B8E;
	s24 =	sld [smem:$0x3FFE];
	[sflag:s23] =	ssyncadd.s32 $0xFFFFFFFF  }
0xa5: {  	s26 =	simm.s32 $execute0_lowered;
	[smem:$0x3FD2] =	sst s25  }
0xa6: {  	s5 =	sshll.u32 s26, $0x1;
	_ =	strace $0x80000046;
	[dreg:$0x1] =	wrdreg $0xFFFFFFFF  }
0xa7: {  	s28 =	simm.s32 $_size_execute0_lowered;
	s3 =	sadd.s32 s3, s5;
	[dreg:$0x0] =	wrdreg $0x0  }
0xa8: {  	s5 =	sshll.u32 s28, $0x1;
	[dreg:$0x2] =	wrdreg s3  }
0xa9: {  	[dreg:$0x3] =	wrdreg s5  }
0xaa: {  	[dreg:$0x4] =	wrdreg $0xC0  }
0xab: {  	_ =	task [dreg:s7], $0x5FFFF  }
0xac: {  	[dreg:$0x1] =	wrdreg $0xFFFFFFFF  }
0xad: {  	[dreg:$0x0] =	wrdreg $0x60  }
0xae: {  	[dreg:$0x2] =	wrdreg s2  }
0xaf: {  	[dreg:$0x3] =	wrdreg s24  }
0xb0: {  	[dreg:$0x4] =	wrdreg $0x90000  }
0xb1: {  	[dreg:$0x5] =	wrdreg $0x9  }
0xb2: {  	_ =	task.clear_ibuf [dreg:s7], $0x6FFFF;
	_ =	strace $0x90000046  }
0xb3: {  	s29 =	simm.s32 $0x9;
	_ =	strace $0x80000048  }
0xb4: {  	_ =	swait.ge [sflag:s29], $0x1  }
0xb5: {  	[sflag:s29] =	ssyncadd.s32 $0xFFFFFFFF  }
0xb6: {  	_ =	strace $0x90000048  }
0xb7: {  	_ =	sfence  }
0xb8: {  	s30 =	sld [smem:$0x0];
	_ =	sdelay $0x2  }
0xb9: {  	s31 =	sshll.u32 s1, $0xD;
	s1 =	sshrl.u32 s1, $0x2  }
0xba: {  	s3 =	sand.u32 $0x4000, s31;
	s1 =	sadd.s32 s1, s30  }
0xbb: {  	s0 =	sor.u32 s3, s0;
	s1 =	sshll.u32 s1, $0x11  }
0xbc: {  	s0 =	sor.u32 s1, s0  }
0xbd: {  	s0 =	sadd.s32 $0x8F2B, s0  }
0xbe: {  	[sflag:s0] =	ssyncadd.remote.s32 $0x1  }
0xbf: {  	_ =	sfence.sel $0xFFFF  }
0xc0: {  	[dreg:$0x0] =	wrdreg $0xFFFFFFFF;
	(pc) =	sbr.abs _section_cstart, $3  }
0xc1: {  	[dreg:$0x1] =	wrdreg $0xFFFFFFFF  }
0xc2: {  	_ =	task.clear_ibuf [dreg:s7], $0x2FFFF;
	_ =	strace $0x9FFFFFFF  }
0xc3: {  	(tm) =	ssettm $0x7FFFFFFF  }
tec
execute0_lowered:
.L_overlay_start_1:
0x0: {  	(tag) =	ssettag $0x1  }
0x1: {  	s9 =	rddreg [dreg:$0x0]  }
0x2: {  	s5 =	rddreg [dreg:$0x1]  }
0x3: {  	s2 =	rddreg [dreg:$0x2]  }
0x4: {  	s0 =	rddreg [dreg:$0x3];
	s1 =	stileid.u32  }
0x5: {  	s4 =	srdreg.scid;
	s3 =	simm.s32 $0x0;
	s6 =	smul.u32 $0x14000, s1  }
0x6: {  	s15 =	simm.s32 $0x80;
	s16 =	simm.s32 $0x0;
	s11 =	smul.u32 $0x50000, s1  }
0x7: {  	s7 =	sand.u32 $0x1, s4;
	[smem:$0x7FF] =	sst s3;
	s28 =	smul.u32 $0x5000, s1  }
0x8: {  	s8 =	sadd.s32 $0x2600, s5;
	s29 =	sshll.u32 s1, $0x6;
	s14 =	smul.u32 $0xA00, s1  }
0x9: {  	s4 =	smul.u32 $0x140000, s7;
	_ =	strace $0x80000047;
	s12 =	ssub.s32 $0x2, s7  }
0xa: {  	p0 =	seq.s32 s7, $0x1;
	s10 =	sshrl.u32 s6, $0x3;
	s23 =	sshrl.u32 s12, $0x1  }
0xb: {  	s24 =	sshrl.u32 s11, $0x2;
	s30 =	sshrl.u32 s28, $0x3;
	s9 =	smov.u32 @p0 s8  }
0xc: {  	s10 =	sadd.s32 s10, s5;
	s6 =	sadd.s32 s6, s4;
	s4 =	sadd.s32 $0xC600, s5  }
0xd: {  	s25 =	ssub.s32 s12, s23;
	s26 =	sadd.s32 s24, s2;
	s31 =	sadd.s32 s9, s30  }
0xe: {  	s9 =	sadd.s32 s9, s14;
	s12 =	simm.s32 $0x1;
	s14 =	simm.s32 $0x2780  }
0xf: {  	s6 =	sshrl.u32 s6, $0x3;
	s8 =	smax.u32 s25, $0x1;
	s11 =	sshrl.u32 s26, $0x3  }
0x10: {  	s13 =	sadd.s32 s6, s5;
	s5 =	sadd.s32 $0xCE00, s10;
	s6 =	sor.u32 $0x1C01, s29  }
0x11: {  	s10 =	sadd.s32 $0x500, s31;
	s7 =	sadd.s32 $0x34E00, s13;
	s13 =	simm.s32 $0x5000  }
.LBB2_1:
0x12: {  	[spmem:s11], [sflag:s6] =	dma.local [hbm:s5], $0x2800  }
0x13: {  	_ =	swait.ge [sflag:s12], $0x2800  }
0x14: {  	[sflag:s12] =	ssyncset.done $0x0  }
0x15: {  	[sflag:s12] =	ssyncadd.s32 $0xFFFFD800  }
0x16: {  	[tilespmem:s13], [sflag:$0x1] =	stream.linear.gather [hbm4b:s4+s3], $0x4000, $0x38;
	[tilespmem:$0x1D000] =	vst v63  }
0x17: {  	_ =	swait.ge [sflag:s12], $0x4000  }
0x18: {  	[sflag:s12] =	ssyncset.done $0x0  }
0x19: {  	[sflag:s12] =	ssyncadd.s32 $0xFFFFC000  }
0x1a: {  	[tilespmem:s3], [sflag:$0x1] =	stream.linear.gather [hbm4b:s9+s3], $0x2780, $0x38;
	[tilespmem:$0x1D000] =	vst v63  }
0x1b: {  	_ =	swait.ge [sflag:s12], $0x2780  }
0x1c: {  	[sflag:s12] =	ssyncset.done $0x0  }
0x1d: {  	[sflag:s12] =	ssyncadd.s32 $0xFFFFD880  }
0x1e: {  	[tilespmem:s14], [sflag:$0x1] =	stream.linear.gather [hbm4b:s10+s3], $0x2780, $0x38;
	[tilespmem:$0x1D000] =	vst v63  }
0x1f: {  	_ =	swait.ge [sflag:s12], $0x2780  }
0x20: {  	[sflag:s12] =	ssyncset.done $0x0  }
0x21: {  	[sflag:s12] =	ssyncadd.s32 $0xFFFFD880  }
0x22: {  	s17 =	simm.s32 $0x0;
	[bflag:$0x0] =	sbarrier.arrive $0xFFFF  }
0x23: {  	[spmem:s2] =	stream.indirect.scatter.add.f32 [tilespmem:s13], [sflag:$0x1], $0x80, s17, s15, $0xb8;
	[tilespmem:$0x1D000] =	vst v63  }
0x24: {  	_ =	swait.ge [sflag:s12], $0x4000  }
0x25: {  	s17 =	simm.s32 $0x200;
	[sflag:s12] =	ssyncset.done $0x0  }
.LBB2_2:
0x26: {  	s18 =	sshra.s32 s17, $0x2;
	[sflag:s12] =	ssyncadd.s32 $0xFFFFC000;
	p0 =	sne.s32 s17, $0x13A00  }
0x27: {  	[spmem:s2] =	stream.indirect.scatter.add.f32 [tilespmem:s13], [sflag:$0x1], $0x80, s18, s15, $0xb8;
	[tilespmem:$0x1D000] =	vst v63  }
.Ltmp0:
0x28: {  	_ = 	snop;
	(pc) =	sbr.rel @p0 .LBB2_2-.Ltmp0, $4  }
0x29: {  	_ = 	snop  }
0x2a: {  	s17 =	sadd.s32 $0x200, s17  }
0x2b: {  	_ =	swait.ge [sflag:s12], $0x4000  }
0x2c: {  	[sflag:s12] =	ssyncset.done $0x0  }
0x2d: {  	s16 =	sadd.s32 $0x1, s16  }
0x2e: {  	[sflag:s12] =	ssyncadd.s32 $0xFFFFC000;
	p0 =	sne.s32 s16, s8  }
.Ltmp1:
0x2f: {  	[bflag:$0x0] =	sbarrier.arrive $0xFFFF;
	(pc) =	sbr.rel @p0 .LBB2_1-.Ltmp1, $4  }
0x30: {  	[hbm:s7], [sflag:s6] =	dma.local [spmem:s11], $0x2800  }
0x31: {  	_ =	swait.ge [sflag:s12], $0x2800  }
0x32: {  	[sflag:s12] =	ssyncset.done $0x0  }
0x33: {  	[sflag:s12] =	ssyncadd.s32 $0xFFFFD800  }
0x34: {  	_ =	sfence.sel $0x180000  }
0x35: {  	[bflag:$0x0] =	sbarrier.arrive $0xFFFF  }
0x36: {  	p0 =	sne.s32 s1, $0x0;
	_ =	strace $0x90000047  }
0x37: {  	s0 =	sadd.s32 @!p0 $0x100000, s0;
	[bflag:$0x2] =	sbarrier.arrive $0xFFFF  }
0x38: {  	[sflag:s0] =	ssyncadd.tile.s32 @!p0 $0x1;
	_ =	shalt  }
.Lfunc_end2:
_tile_overlayer_lowered:
.L_overlay_start_2:
0x39: {  	(tag) =	ssettag $0x2  }
0x3a: {  	s0 =	rddreg [dreg:$0x0];
	s2 =	stileid.u32  }
0x3b: {  	s1 =	rddreg [dreg:$0x1];
	p0 =	sne.s32 s2, $0x0  }
0x3c: {  	s3 =	rddreg [dreg:$0x2];
	[bflag:$0x3] =	sbarrier.arrive $0xFFFF;
	s2 =	simm.s32 @!p0 $0x1C01  }
0x3d: {  	[timem:s3], [sflag:s2] =	dma.local @!p0 [hbm:s0], s1  }
0x3e: {  	s0 =	simm.s32 @!p0 $0x1  }
0x3f: {  	_ =	swait.ge @!p0 [sflag:s0], s1  }
0x40: {  	s1 =	ssub.s32 @!p0 $0x0, s1;
	[sflag:s0] =	ssyncset.done @!p0 $0x0  }
0x41: {  	[sflag:s0] =	ssyncadd.s32 @!p0 s1  }
0x42: {  	[bflag:$0x3] =	sbarrier.arrive $0xFFFF  }
0x43: {  	_ =	shalt  }

// kernel: kernel.13.cloned.1.call-start
scs
__scs_entry_jumppad:
0x0: {  	(pc) =	sbr.rel $0x88, $3  }
0x1: {  	(tag) =	ssettag $0x0;
	lr =	simm.s32 $0x1  }
0x2: {  	[smem:$0x3F9D] =	sst lr;
	_ =	strace $0xD0000000  }
0x3: {  	_ = 	snop  }
0x4: {  	_ = 	snop  }
0x5: {  	_ = 	snop  }
0x6: {  	_ = 	snop  }
0x7: {  	_ = 	snop  }
__scs_overlays_trampoline_lowered:
0x8: {  	[smem:$0x3FAC] =	sst s0  }
0x9: {  	[smem:$0x3FAD] =	sst s1  }
0xa: {  	[smem:$0x3FAE] =	sst s2  }
0xb: {  	[smem:$0x3FAF] =	sst s3  }
0xc: {  	[smem:$0x3FB0] =	sst s4  }
0xd: {  	[smem:$0x3FB1] =	sst s5  }
0xe: {  	[smem:$0x3FB2] =	sst s6  }
0xf: {  	[smem:$0x3FB3] =	sst s7  }
0x10: {  	[smem:$0x3FB4] =	sst s8  }
0x11: {  	[smem:$0x3FB5] =	sst s9;
	s0 =	simm.s32 @!p0 $0x0  }
0x12: {  	s1 =	sld [smem:$0x3F9B];
	s0 =	simm.s32 @p0 $0x1  }
0x13: {  	[smem:$0x3FB6] =	sst s0;
	s0 =	simm.s32 @!p1 $0x0  }
0x14: {  	s2 =	sld [smem:$0x3F9A];
	s0 =	simm.s32 @p1 $0x1  }
0x15: {  	[smem:$0x3FB7] =	sst s0;
	s0 =	simm.s32 @!p2 $0x0  }
0x16: {  	s3 =	sld [smem:$0x3FDB];
	s0 =	simm.s32 @p2 $0x1  }
0x17: {  	s4 =	simm.s32 $0x1BF5;
	[smem:$0x3FB9] =	sst s0  }
0x18: {  	s0 =	sld [smem:$0x3F9C];
	_ =	swait.ge [sflag:s4], $0x0  }
0x19: {  	s7 =	sld [smem:$0x3F9D]  }
0x1a: {  	s8 =	sadd.s32 $0xFFFFE003, lr  }
0x1b: {  	s9 =	sadd.s32 $0xFFFFFEF7, lr;
	s5 =	simm.s32 $0xFFFFFFFF;
	p2 =	slt.u32 s8, $0xFFFFF086  }
0x1c: {  	p1 =	slt.u32 s9, $0xF7A;
	s5 =	simm.s32 @!p2 $0x0  }
0x1d: {  	s5 =	simm.s32 @p1 $0x1;
	p0 =	seq.s32 s7, s2  }
0x1e: {  	s7 =	smul.u32 @!p0 $0xF7A, s2;
	p2 =	seq.s32 @!p0 s5, $0x0  }
0x1f: {  	s9 =	smul.u32 $0xF7A, s1;
	s8 =	simm.s32 @!p0 $0x1BF5;
	p2 =	por !p2, p0  }
0x20: {  	[sflag:s8] =	ssyncset.s32 @!p0 $0xFFFFF086;
	s6 =	sadd.s32 @!p0 s3, s7;
	s7 =	simm.s32 @!p0 $0x108  }
0x21: {  	s3 =	sadd.s32 s3, s9;
	s6 =	sadd.s32 @!p0 $0x88, s6;
	s7 =	simm.s32 @p2 $0x1082  }
0x22: {  	[simem:s7], [sflag:s8] =	dma.local @!p0 [hbm:s6], $0xF7A  }
0x23: {  	s9 =	sor.u32 $0xD0000000, s2;
	s6 =	simm.s32 $0x108;
	_ =	swait.ge @!p0 [sflag:s8], $0x0  }
0x24: {  	s3 =	sadd.s32 $0x88, s3;
	s6 =	simm.s32 @!p1 $0x1082;
	[sflag:s4] =	ssyncset.s32 $0xFFFFF086  }
0x25: {  	[simem:s6], [sflag:s4] =	dma.local [hbm:s3], $0xF7A  }
0x26: {  	[smem:$0x3F9D] =	sst s1;
	(tag) =	ssettag s2;
	_ =	strace s9  }
0x27: {  	s1 =	sld [smem:$0x3FAD]  }
0x28: {  	s2 =	sld [smem:$0x3FAE]  }
0x29: {  	s4 =	sld [smem:$0x3FB0]  }
0x2a: {  	p0 =	seq.s32 s5, $0x0;
	s5 =	sld [smem:$0x3FB1]  }
0x2b: {  	s6 =	sld [smem:$0x3FB2]  }
0x2c: {  	s7 =	sld [smem:$0x3FB3]  }
0x2d: {  	s3 =	simm.s32 $0x108;
	s8 =	sld [smem:$0x3FB4]  }
0x2e: {  	s3 =	simm.s32 @!p0 $0x1082;
	s9 =	sld [smem:$0x3FB5]  }
0x2f: {  	lr =	sadd.s32 s0, s3;
	s0 =	sld [smem:$0x3FAC]  }
0x30: {  	s3 =	sld [smem:$0x3FAF]  }
0x31: {  	[smem:$0x3FB8] =	sst s10  }
0x32: {  	s10 =	sld [smem:$0x3FB6];
	_ =	sdelay $0x3  }
0x33: {  	p0 =	seq.s32 s10, $0x1;
	s10 =	sld [smem:$0x3FB8];
	_ =	sdelay $0x3  }
0x34: {  	[smem:$0x3FB8] =	sst s10  }
0x35: {  	s10 =	sld [smem:$0x3FB7];
	_ =	sdelay $0x3  }
0x36: {  	p1 =	seq.s32 s10, $0x1;
	s10 =	sld [smem:$0x3FB8];
	_ =	sdelay $0x3  }
0x37: {  	[smem:$0x3FB8] =	sst s10  }
0x38: {  	s10 =	sld [smem:$0x3FB9]  }
0x39: {  	_ = 	snop;
	(pc) =	sbr.ind lr, $3  }
0x3a: {  	_ = 	snop  }
0x3b: {  	_ = 	snop  }
0x3c: {  	p2 =	seq.s32 s10, $0x1;
	s10 =	sld [smem:$0x3FB8]  }
0x3d: {  	_ =	shalt  }
0x3e: {  	_ =	shalt  }
0x3f: {  	_ =	shalt  }
0x40: {  	_ =	shalt  }
0x41: {  	_ =	shalt  }
0x42: {  	_ =	shalt  }
0x43: {  	_ =	shalt  }
0x44: {  	_ =	shalt  }
0x45: {  	_ =	shalt  }
0x46: {  	_ =	shalt  }
0x47: {  	_ =	shalt  }
0x48: {  	_ =	shalt  }
0x49: {  	_ =	shalt  }
0x4a: {  	_ =	shalt  }
0x4b: {  	_ =	shalt  }
0x4c: {  	_ =	shalt  }
0x4d: {  	_ =	shalt  }
0x4e: {  	_ =	shalt  }
0x4f: {  	_ =	shalt  }
0x50: {  	_ =	shalt  }
0x51: {  	_ =	shalt  }
0x52: {  	_ =	shalt  }
0x53: {  	_ =	shalt  }
0x54: {  	_ =	shalt  }
0x55: {  	_ =	shalt  }
0x56: {  	_ =	shalt  }
0x57: {  	_ =	shalt  }
0x58: {  	_ =	shalt  }
0x59: {  	_ =	shalt  }
0x5a: {  	_ =	shalt  }
0x5b: {  	_ =	shalt  }
0x5c: {  	_ =	shalt  }
0x5d: {  	_ =	shalt  }
0x5e: {  	_ =	shalt  }
0x5f: {  	_ =	shalt  }
0x60: {  	_ =	shalt  }
0x61: {  	_ =	shalt  }
0x62: {  	_ =	shalt  }
0x63: {  	_ =	shalt  }
0x64: {  	_ =	shalt  }
0x65: {  	_ =	shalt  }
0x66: {  	_ =	shalt  }
0x67: {  	_ =	shalt  }
0x68: {  	_ =	shalt  }
0x69: {  	_ =	shalt  }
0x6a: {  	_ =	shalt  }
0x6b: {  	_ =	shalt  }
0x6c: {  	_ =	shalt  }
0x6d: {  	_ =	shalt  }
0x6e: {  	_ =	shalt  }
0x6f: {  	_ =	shalt  }
0x70: {  	_ =	shalt  }
0x71: {  	_ =	shalt  }
0x72: {  	_ =	shalt  }
0x73: {  	_ =	shalt  }
0x74: {  	_ =	shalt  }
0x75: {  	_ =	shalt  }
0x76: {  	_ =	shalt  }
0x77: {  	_ =	shalt  }
0x78: {  	_ =	shalt  }
0x79: {  	_ =	shalt  }
0x7a: {  	_ =	shalt  }
0x7b: {  	_ =	shalt  }
0x7c: {  	_ =	shalt  }
0x7d: {  	_ =	shalt  }
0x7e: {  	_ =	shalt  }
0x7f: {  	_ =	shalt  }
0x80: {  	_ =	shalt  }
0x81: {  	_ =	shalt  }
0x82: {  	_ =	shalt  }
0x83: {  	_ =	shalt  }
0x84: {  	_ =	shalt  }
0x85: {  	_ =	shalt  }
0x86: {  	_ =	shalt  }
0x87: {  	_ =	shalt  }
.Lfunc_end0:
.L_simem_size_0:
called_computation.1_lowered:
.L_overlay_start_0:
0x88: {  	s2 =	sld [smem:$0x3FD9]  }
0x89: {  	s3 =	sld [smem:$0x3FFE];
	_ =	sdelay $0x1  }
0x8a: {  	s1 =	srdreg.scid  }
0x8b: {  	s0 =	sand.u32 $0x1, s1  }
0x8c: {  	s17 =	sshll.u32 s0, $0xA;
	s2 =	sadd.s32 s3, s2  }
0x8d: {  	s2 =	sadd.s32 s2, s17  }
0x8e: {  	[smem:$0x3FC4] =	sst s2  }
0x8f: {  	_ = 	snop  }
0x90: {  	s2 =	sld [smem:$0x3FD0];
	(tm) =	ssettm $0x1  }
0x91: {  	s18 =	sld [smem:$0x3FFB];
	_ =	sdelay $0x3  }
0x92: {  	_ =	strace s18  }
0x93: {  	s3 =	sld [smem:$0x3FFC];
	_ =	sdelay $0x3  }
0x94: {  	_ =	strace s3  }
0x95: {  	s3 =	sld [smem:$0x3FFD];
	_ =	sdelay $0x3  }
0x96: {  	_ =	strace s3  }
0x97: {  	_ =	strace $0x8FFFFFFF  }
0x98: {  	s19 =	sld [smem:$0x3FDB];
	_ =	sdelay $0x1  }
0x99: {  	s4 =	simm.s32 $_scs_section_size  }
0x9a: {  	s5 =	simm.s32 $_size__tile_overlayer_lowered;
	s6 =	simm.s32 $_tile_overlayer_lowered  }
0x9b: {  	s22 =	simm.s32 $0x1BFF;
	s21 =	sshll.u32 s6, $0x1;
	s3 =	sadd.s32 s4, s19  }
0x9c: {  	s7 =	simm.s32 $0x0;
	s20 =	sshll.u32 s5, $0x1;
	s5 =	sadd.s32 s21, s3  }
0x9d: {  	[timem:s7], [sflag:s22] =	dma.local [hbm:s5], s20  }
0x9e: {  	_ =	swait.ge [sflag:s22], s20  }
0x9f: {  	s4 =	ssub.s32 $0x0, s20;
	[sflag:s22] =	ssyncset.done $0x0  }
0xa0: {  	[sflag:s22] =	ssyncadd.s32 s4;
	_ =	sdelay $0x1  }
0xa1: {  	s23 =	simm.s32 $0x1B8B  }
0xa2: {  	_ =	swait.ge [sflag:s23], $0x1  }
0xa3: {  	[sflag:s23] =	ssyncset.done $0x0  }
0xa4: {  	s25 =	simm.s32 $0x1B8E;
	s24 =	sld [smem:$0x3FFE];
	[sflag:s23] =	ssyncadd.s32 $0xFFFFFFFF  }
0xa5: {  	s26 =	simm.s32 $execute0_lowered;
	[smem:$0x3FD2] =	sst s25  }
0xa6: {  	s5 =	sshll.u32 s26, $0x1;
	_ =	strace $0x80000049;
	[dreg:$0x1] =	wrdreg $0xFFFFFFFF  }
0xa7: {  	s28 =	simm.s32 $_size_execute0_lowered;
	s3 =	sadd.s32 s3, s5;
	[dreg:$0x0] =	wrdreg $0x0  }
0xa8: {  	s5 =	sshll.u32 s28, $0x1;
	[dreg:$0x2] =	wrdreg s3  }
0xa9: {  	[dreg:$0x3] =	wrdreg s5  }
0xaa: {  	[dreg:$0x4] =	wrdreg $0xC0  }
0xab: {  	_ =	task [dreg:s7], $0x5FFFF  }
0xac: {  	[dreg:$0x1] =	wrdreg $0xFFFFFFFF  }
0xad: {  	[dreg:$0x0] =	wrdreg $0x60  }
0xae: {  	[dreg:$0x2] =	wrdreg s24  }
0xaf: {  	[dreg:$0x3] =	wrdreg s2  }
0xb0: {  	[dreg:$0x4] =	wrdreg $0xA9000  }
0xb1: {  	[dreg:$0x5] =	wrdreg $0x9  }
0xb2: {  	_ =	task.clear_ibuf [dreg:s7], $0x6FFFF;
	_ =	strace $0x90000049  }
0xb3: {  	s29 =	simm.s32 $0x9;
	_ =	strace $0x8000004B  }
0xb4: {  	_ =	swait.ge [sflag:s29], $0x1  }
0xb5: {  	[sflag:s29] =	ssyncadd.s32 $0xFFFFFFFF  }
0xb6: {  	_ =	strace $0x9000004B  }
0xb7: {  	_ =	sfence  }
0xb8: {  	s30 =	sld [smem:$0x0];
	_ =	sdelay $0x2  }
0xb9: {  	s31 =	sshll.u32 s1, $0xD;
	s1 =	sshrl.u32 s1, $0x2  }
0xba: {  	s3 =	sand.u32 $0x4000, s31;
	s1 =	sadd.s32 s1, s30  }
0xbb: {  	s0 =	sor.u32 s3, s0;
	s1 =	sshll.u32 s1, $0x11  }
0xbc: {  	s0 =	sor.u32 s1, s0  }
0xbd: {  	s0 =	sadd.s32 $0x8F2B, s0  }
0xbe: {  	[sflag:s0] =	ssyncadd.remote.s32 $0x1  }
0xbf: {  	_ =	sfence.sel $0xFFFF  }
0xc0: {  	[dreg:$0x0] =	wrdreg $0xFFFFFFFF;
	(pc) =	sbr.abs _section_cstart, $3  }
0xc1: {  	[dreg:$0x1] =	wrdreg $0xFFFFFFFF  }
0xc2: {  	_ =	task.clear_ibuf [dreg:s7], $0x2FFFF;
	_ =	strace $0x9FFFFFFF  }
0xc3: {  	(tm) =	ssettm $0x7FFFFFFF  }
tec
execute0_lowered:
.L_overlay_start_1:
0x0: {  	(tag) =	ssettag $0x1  }
0x1: {  	s6 =	rddreg [dreg:$0x0]  }
0x2: {  	s9 =	rddreg [dreg:$0x1]  }
0x3: {  	s2 =	rddreg [dreg:$0x2];
	s1 =	stileid.u32  }
0x4: {  	s4 =	srdreg.scid;
	s3 =	simm.s32 $0x0;
	s15 =	simm.s32 $0x3  }
0x5: {  	s16 =	simm.s32 $0x2800;
	s17 =	simm.s32 $0x80;
	s18 =	simm.s32 $0x2900  }
0x6: {  	s19 =	simm.s32 $0x6900;
	s20 =	simm.s32 $0x2880;
	s21 =	simm.s32 $0x1  }
0x7: {  	s22 =	simm.s32 $0x2;
	s23 =	simm.s32 $0x0;
	s7 =	smul.u32 $0x14000, s1  }
0x8: {  	s8 =	sand.u32 $0x1, s4;
	[smem:$0x7FF] =	sst s3;
	s24 =	smul.u32 $0x50000, s1  }
0x9: {  	s4 =	sadd.s32 $0xFCE00, s6;
	s5 =	sadd.s32 $0x2600, s6;
	s10 =	smul.u32 $0x140000, s8  }
0xa: {  	s12 =	sshll.u32 s1, $0x1;
	s30 =	sshll.u32 s1, $0x6;
	_ =	strace $0x8000004A  }
0xb: {  	s25 =	ssub.s32 $0x2, s8;
	s11 =	sshrl.u32 s7, $0x3;
	s7 =	sadd.s32 s7, s10  }
0xc: {  	s26 =	sor.u32 s8, s12;
	s28 =	sshrl.u32 s25, $0x1;
	s7 =	sshrl.u32 s7, $0x3  }
0xd: {  	s11 =	sadd.s32 s11, s6;
	s13 =	sadd.s32 s7, s6;
	s6 =	smul.u32 $0x2800, s26  }
0xe: {  	s8 =	sor.u32 $0x1C03, s30;
	s10 =	sshrl.u32 s24, $0x2;
	s29 =	ssub.s32 s25, s28  }
0xf: {  	s14 =	sadd.s32 s10, s2;
	s12 =	smax.u32 s29, $0x1;
	s31 =	sshrl.u32 s6, $0x3  }
0x10: {  	s7 =	sadd.s32 $0xCE00, s11;
	s14 =	sshrl.u32 s14, $0x3;
	s10 =	sadd.s32 s5, s31  }
0x11: {  	s11 =	sadd.s32 $0x124E00, s13;
	s9 =	sadd.s32 s9, s31;
	s13 =	sadd.s32 $0x10, s10  }
.LBB2_1:
0x12: {  	[spmem:s14], [sflag:s8] =	dma.local [hbm:s7], $0x2800  }
0x13: {  	_ =	swait.ge [sflag:s15], $0x2800  }
0x14: {  	[sflag:s15] =	ssyncset.done $0x0  }
0x15: {  	[sflag:s15] =	ssyncadd.s32 $0xFFFFD800  }
0x16: {  	[tilespmem:s3], [sflag:$0x3] =	stream.linear.gather [hbm4b:s9+s3], $0x2780, $0x38;
	[tilespmem:$0x1E900] =	vst v63  }
0x17: {  	_ =	swait.ge [sflag:s15], $0x2780  }
0x18: {  	[sflag:s15] =	ssyncset.done $0x0  }
0x19: {  	[sflag:s15] =	ssyncadd.s32 $0xFFFFD880  }
0x1a: {  	[tilespmem:s16], [sflag:$0x3] =	stream.linear.gather [hbm4b:s10+s3], $0x80, $0x38;
	[tilespmem:$0x1E900] =	vst v63  }
0x1b: {  	_ =	swait.ge [sflag:s15], $0x80  }
0x1c: {  	[sflag:s15] =	ssyncset.done $0x0  }
0x1d: {  	[sflag:s15] =	ssyncadd.s32 $0xFFFFFF80  }
0x1e: {  	[bflag:$0x0] =	sbarrier.arrive $0xFFFF  }
0x1f: {  	[tilespmem:s18], [sflag:$0x1] =	stream.indirect.gather [hbm4b:s4+s17], $0x80, s3, s17, $0xb8;
	[tilespmem:$0x1E900] =	vst v63  }
0x20: {  	_ =	swait.ge [sflag:s21], $0x4000  }
0x21: {  	[sflag:s21] =	ssyncset.done $0x0  }
0x22: {  	[sflag:s21] =	ssyncadd.s32 $0xFFFFC000  }
0x23: {  	[tilespmem:s19], [sflag:$0x1] =	stream.indirect.gather [hbm4b:s4+s17], $0x80, s17, s17, $0xb8;
	[tilespmem:$0x1E900] =	vst v63  }
0x24: {  	_ = 	snop  }
0x25: {  	[tilespmem:s20], [sflag:$0x2] =	stream.linear.gather [hbm4b:s13+s3], $0x80, $0x38;
	[tilespmem:$0x1E900] =	vst v63  }
0x26: {  	_ = 	snop  }
0x27: {  	[spmem:s2] =	stream.indirect.scatter.add.f32 [tilespmem:s18], [sflag:$0x3], $0x80, s16, s17, $0xb8;
	[tilespmem:$0x1E900] =	vst v63  }
0x28: {  	_ =	swait.ge [sflag:s15], $0x4000  }
0x29: {  	[sflag:s15] =	ssyncset.done $0x0  }
0x2a: {  	s25 =	sand.u32 $0x1, s21;
	s24 =	simm.s32 $0x100;
	[sflag:s15] =	ssyncadd.s32 $0xFFFFC000  }
0x2b: {  	s26 =	sshll.u32 s25, $0xE;
	s29 =	sand.u32 $0x7C00, s24;
	_ =	swait.ge [sflag:s21], $0x4000  }
0x2c: {  	s30 =	sand.u32 $0x380, s24;
	s28 =	sxor.u32 $0x4000, s26;
	[sflag:s21] =	ssyncset.done $0x0  }
0x2d: {  	s29 =	sadd.s32 s6, s29;
	s28 =	sor.u32 $0x2900, s28;
	[sflag:s21] =	ssyncadd.s32 $0xFFFFC000  }
0x2e: {  	[tilespmem:s28], [sflag:$0x1] =	stream.indirect.gather [hbm4b:s4+s17], $0x80, s24, s17, $0xb8;
	[tilespmem:$0x1E900] =	vst v63  }
0x2f: {  	s25 =	sshll.u32 s25, $0x7;
	s28 =	sor.u32 s30, s29;
	_ =	swait.ge [sflag:s22], $0x80  }
0x30: {  	s31 =	sxor.u32 $0x80, s25;
	s28 =	sshrl.u32 s28, $0x3;
	[sflag:s22] =	ssyncset.done $0x0  }
0x31: {  	s29 =	sor.u32 $0x2800, s31;
	s28 =	sadd.s32 s5, s28;
	[sflag:s22] =	ssyncadd.s32 $0xFFFFFF80  }
0x32: {  	[tilespmem:s29], [sflag:$0x2] =	stream.linear.gather [hbm4b:s28+s3], $0x80, $0x38;
	[tilespmem:$0x1E900] =	vst v63  }
0x33: {  	s26 =	sor.u32 $0x2900, s26;
	s25 =	sor.u32 $0x2800, s25  }
0x34: {  	[spmem:s2] =	stream.indirect.scatter.add.f32 [tilespmem:s26], [sflag:$0x3], $0x80, s25, s17, $0xb8;
	[tilespmem:$0x1E900] =	vst v63  }
0x35: {  	s25 =	simm.s32 $0x2;
	s26 =	simm.s32 $0x100;
	_ =	swait.ge [sflag:s15], $0x4000  }
.LBB2_2:
0x36: {  	[sflag:s15] =	ssyncset.done $0x0  }
0x37: {  	s24 =	sadd.s32 $0x80, s24;
	s26 =	sadd.s32 $0x80, s26;
	s28 =	sand.u32 $0x1, s25  }
0x38: {  	p0 =	sne.s32 s25, $0x4D;
	s25 =	sadd.s32 $0x1, s25;
	[sflag:s15] =	ssyncadd.s32 $0xFFFFC000  }
0x39: {  	s29 =	sshll.u32 s28, $0xE;
	s28 =	sshll.u32 s28, $0x7;
	_ =	swait.ge [sflag:s21], $0x4000  }
0x3a: {  	s31 =	sand.u32 $0x380, s24;
	s30 =	sxor.u32 $0x4000, s29;
	[sflag:s21] =	ssyncset.done $0x0  }
0x3b: {  	s0 =	sand.u32 $0x7C00, s24;
	s30 =	sor.u32 $0x2900, s30;
	[sflag:s21] =	ssyncadd.s32 $0xFFFFC000  }
0x3c: {  	[tilespmem:s30], [sflag:$0x1] =	stream.indirect.gather [hbm4b:s4+s17], $0x80, s26, s17, $0xb8;
	[tilespmem:$0x1E900] =	vst v63  }
0x3d: {  	s0 =	sadd.s32 s6, s0;
	s30 =	sxor.u32 $0x80, s28;
	_ =	swait.ge [sflag:s22], $0x80  }
0x3e: {  	s29 =	sor.u32 $0x2900, s29;
	s0 =	sor.u32 s31, s0;
	[sflag:s22] =	ssyncset.done $0x0  }
0x3f: {  	s0 =	sshrl.u32 s0, $0x3;
	s30 =	sor.u32 $0x2800, s30;
	[sflag:s22] =	ssyncadd.s32 $0xFFFFFF80  }
.Ltmp0:
0x40: {  	s0 =	sadd.s32 s5, s0;
	s28 =	sor.u32 $0x2800, s28;
	(pc) =	sbr.rel @p0 .LBB2_2-.Ltmp0, $4  }
0x41: {  	[tilespmem:s30], [sflag:$0x2] =	stream.linear.gather [hbm4b:s0+s3], $0x80, $0x38;
	[tilespmem:$0x1E900] =	vst v63  }
0x42: {  	_ = 	snop  }
0x43: {  	[spmem:s2] =	stream.indirect.scatter.add.f32 [tilespmem:s29], [sflag:$0x3], $0x80, s28, s17, $0xb8;
	[tilespmem:$0x1E900] =	vst v63  }
0x44: {  	_ =	swait.ge [sflag:s15], $0x4000  }
0x45: {  	[sflag:s15] =	ssyncset.done $0x0  }
0x46: {  	[sflag:s15] =	ssyncadd.s32 $0xFFFFC000  }
0x47: {  	_ =	swait.ge [sflag:s21], $0x4000  }
0x48: {  	[sflag:s21] =	ssyncset.done $0x0  }
0x49: {  	[sflag:s21] =	ssyncadd.s32 $0xFFFFC000  }
0x4a: {  	_ =	swait.ge [sflag:s22], $0x80  }
0x4b: {  	[sflag:s22] =	ssyncset.done $0x0  }
0x4c: {  	[sflag:s22] =	ssyncadd.s32 $0xFFFFFF80  }
0x4d: {  	[spmem:s2] =	stream.indirect.scatter.add.f32 [tilespmem:s18], [sflag:$0x3], $0x80, s16, s17, $0xb8;
	[tilespmem:$0x1E900] =	vst v63  }
0x4e: {  	_ =	swait.ge [sflag:s15], $0x4000  }
0x4f: {  	s23 =	sadd.s32 $0x1, s23;
	[sflag:s15] =	ssyncset.done $0x0  }
0x50: {  	p0 =	sne.s32 s23, s12;
	[sflag:s15] =	ssyncadd.s32 $0xFFFFC000  }
.Ltmp1:
0x51: {  	[bflag:$0x0] =	sbarrier.arrive $0xFFFF;
	(pc) =	sbr.rel @p0 .LBB2_1-.Ltmp1, $4  }
0x52: {  	[hbm:s11], [sflag:s8] =	dma.local [spmem:s14], $0x2800  }
0x53: {  	_ =	swait.ge [sflag:s15], $0x2800  }
0x54: {  	[sflag:s15] =	ssyncset.done $0x0  }
0x55: {  	[sflag:s15] =	ssyncadd.s32 $0xFFFFD800  }
0x56: {  	_ =	sfence.sel $0x180000  }
0x57: {  	[bflag:$0x0] =	sbarrier.arrive $0xFFFF  }
0x58: {  	_ =	strace $0x9000004A  }
0x59: {  	[bflag:$0x2] =	sbarrier.arrive $0xFFFF  }
0x5a: {  	p0 =	sne.s32 s1, $0x0;
	s0 =	rddreg [dreg:$0x3]  }
0x5b: {  	s0 =	sadd.s32 @!p0 $0x100000, s0  }
0x5c: {  	[sflag:s0] =	ssyncadd.tile.s32 @!p0 $0x1;
	_ =	shalt  }
.Lfunc_end2:
_tile_overlayer_lowered:
.L_overlay_start_2:
0x5d: {  	(tag) =	ssettag $0x2  }
0x5e: {  	s0 =	rddreg [dreg:$0x0];
	s2 =	stileid.u32  }
0x5f: {  	s1 =	rddreg [dreg:$0x1];
	p0 =	sne.s32 s2, $0x0  }
0x60: {  	s3 =	rddreg [dreg:$0x2];
	[bflag:$0x3] =	sbarrier.arrive $0xFFFF;
	s2 =	simm.s32 @!p0 $0x1C03  }
0x61: {  	[timem:s3], [sflag:s2] =	dma.local @!p0 [hbm:s0], s1  }
0x62: {  	s0 =	simm.s32 @!p0 $0x3  }
0x63: {  	_ =	swait.ge @!p0 [sflag:s0], s1  }
0x64: {  	s1 =	ssub.s32 @!p0 $0x0, s1;
	[sflag:s0] =	ssyncset.done @!p0 $0x0  }
0x65: {  	[sflag:s0] =	ssyncadd.s32 @!p0 s1  }
0x66: {  	[bflag:$0x3] =	sbarrier.arrive $0xFFFF  }
0x67: {  	_ =	shalt  }

// kernel: kernel.16.cloned.1.call-start
scs
__scs_entry_jumppad:
0x0: {  	(pc) =	sbr.rel $0x88, $3  }
0x1: {  	(tag) =	ssettag $0x0;
	lr =	simm.s32 $0x1  }
0x2: {  	[smem:$0x3F9D] =	sst lr;
	_ =	strace $0xD0000000  }
0x3: {  	_ = 	snop  }
0x4: {  	_ = 	snop  }
0x5: {  	_ = 	snop  }
0x6: {  	_ = 	snop  }
0x7: {  	_ = 	snop  }
__scs_overlays_trampoline_lowered:
0x8: {  	[smem:$0x3FAC] =	sst s0  }
0x9: {  	[smem:$0x3FAD] =	sst s1  }
0xa: {  	[smem:$0x3FAE] =	sst s2  }
0xb: {  	[smem:$0x3FAF] =	sst s3  }
0xc: {  	[smem:$0x3FB0] =	sst s4  }
0xd: {  	[smem:$0x3FB1] =	sst s5  }
0xe: {  	[smem:$0x3FB2] =	sst s6  }
0xf: {  	[smem:$0x3FB3] =	sst s7  }
0x10: {  	[smem:$0x3FB4] =	sst s8  }
0x11: {  	[smem:$0x3FB5] =	sst s9;
	s0 =	simm.s32 @!p0 $0x0  }
0x12: {  	s1 =	sld [smem:$0x3F9B];
	s0 =	simm.s32 @p0 $0x1  }
0x13: {  	[smem:$0x3FB6] =	sst s0;
	s0 =	simm.s32 @!p1 $0x0  }
0x14: {  	s2 =	sld [smem:$0x3F9A];
	s0 =	simm.s32 @p1 $0x1  }
0x15: {  	[smem:$0x3FB7] =	sst s0;
	s0 =	simm.s32 @!p2 $0x0  }
0x16: {  	s3 =	sld [smem:$0x3FDB];
	s0 =	simm.s32 @p2 $0x1  }
0x17: {  	s4 =	simm.s32 $0x1BF5;
	[smem:$0x3FB9] =	sst s0  }
0x18: {  	s0 =	sld [smem:$0x3F9C];
	_ =	swait.ge [sflag:s4], $0x0  }
0x19: {  	s7 =	sld [smem:$0x3F9D]  }
0x1a: {  	s8 =	sadd.s32 $0xFFFFE003, lr  }
0x1b: {  	s9 =	sadd.s32 $0xFFFFFEF7, lr;
	s5 =	simm.s32 $0xFFFFFFFF;
	p2 =	slt.u32 s8, $0xFFFFF086  }
0x1c: {  	p1 =	slt.u32 s9, $0xF7A;
	s5 =	simm.s32 @!p2 $0x0  }
0x1d: {  	s5 =	simm.s32 @p1 $0x1;
	p0 =	seq.s32 s7, s2  }
0x1e: {  	s7 =	smul.u32 @!p0 $0xF7A, s2;
	p2 =	seq.s32 @!p0 s5, $0x0  }
0x1f: {  	s9 =	smul.u32 $0xF7A, s1;
	s8 =	simm.s32 @!p0 $0x1BF5;
	p2 =	por !p2, p0  }
0x20: {  	[sflag:s8] =	ssyncset.s32 @!p0 $0xFFFFF086;
	s6 =	sadd.s32 @!p0 s3, s7;
	s7 =	simm.s32 @!p0 $0x108  }
0x21: {  	s3 =	sadd.s32 s3, s9;
	s6 =	sadd.s32 @!p0 $0x88, s6;
	s7 =	simm.s32 @p2 $0x1082  }
0x22: {  	[simem:s7], [sflag:s8] =	dma.local @!p0 [hbm:s6], $0xF7A  }
0x23: {  	s9 =	sor.u32 $0xD0000000, s2;
	s6 =	simm.s32 $0x108;
	_ =	swait.ge @!p0 [sflag:s8], $0x0  }
0x24: {  	s3 =	sadd.s32 $0x88, s3;
	s6 =	simm.s32 @!p1 $0x1082;
	[sflag:s4] =	ssyncset.s32 $0xFFFFF086  }
0x25: {  	[simem:s6], [sflag:s4] =	dma.local [hbm:s3], $0xF7A  }
0x26: {  	[smem:$0x3F9D] =	sst s1;
	(tag) =	ssettag s2;
	_ =	strace s9  }
0x27: {  	s1 =	sld [smem:$0x3FAD]  }
0x28: {  	s2 =	sld [smem:$0x3FAE]  }
0x29: {  	s4 =	sld [smem:$0x3FB0]  }
0x2a: {  	p0 =	seq.s32 s5, $0x0;
	s5 =	sld [smem:$0x3FB1]  }
0x2b: {  	s6 =	sld [smem:$0x3FB2]  }
0x2c: {  	s7 =	sld [smem:$0x3FB3]  }
0x2d: {  	s3 =	simm.s32 $0x108;
	s8 =	sld [smem:$0x3FB4]  }
0x2e: {  	s3 =	simm.s32 @!p0 $0x1082;
	s9 =	sld [smem:$0x3FB5]  }
0x2f: {  	lr =	sadd.s32 s0, s3;
	s0 =	sld [smem:$0x3FAC]  }
0x30: {  	s3 =	sld [smem:$0x3FAF]  }
0x31: {  	[smem:$0x3FB8] =	sst s10  }
0x32: {  	s10 =	sld [smem:$0x3FB6];
	_ =	sdelay $0x3  }
0x33: {  	p0 =	seq.s32 s10, $0x1;
	s10 =	sld [smem:$0x3FB8];
	_ =	sdelay $0x3  }
0x34: {  	[smem:$0x3FB8] =	sst s10  }
0x35: {  	s10 =	sld [smem:$0x3FB7];
	_ =	sdelay $0x3  }
0x36: {  	p1 =	seq.s32 s10, $0x1;
	s10 =	sld [smem:$0x3FB8];
	_ =	sdelay $0x3  }
0x37: {  	[smem:$0x3FB8] =	sst s10  }
0x38: {  	s10 =	sld [smem:$0x3FB9]  }
0x39: {  	_ = 	snop;
	(pc) =	sbr.ind lr, $3  }
0x3a: {  	_ = 	snop  }
0x3b: {  	_ = 	snop  }
0x3c: {  	p2 =	seq.s32 s10, $0x1;
	s10 =	sld [smem:$0x3FB8]  }
0x3d: {  	_ =	shalt  }
0x3e: {  	_ =	shalt  }
0x3f: {  	_ =	shalt  }
0x40: {  	_ =	shalt  }
0x41: {  	_ =	shalt  }
0x42: {  	_ =	shalt  }
0x43: {  	_ =	shalt  }
0x44: {  	_ =	shalt  }
0x45: {  	_ =	shalt  }
0x46: {  	_ =	shalt  }
0x47: {  	_ =	shalt  }
0x48: {  	_ =	shalt  }
0x49: {  	_ =	shalt  }
0x4a: {  	_ =	shalt  }
0x4b: {  	_ =	shalt  }
0x4c: {  	_ =	shalt  }
0x4d: {  	_ =	shalt  }
0x4e: {  	_ =	shalt  }
0x4f: {  	_ =	shalt  }
0x50: {  	_ =	shalt  }
0x51: {  	_ =	shalt  }
0x52: {  	_ =	shalt  }
0x53: {  	_ =	shalt  }
0x54: {  	_ =	shalt  }
0x55: {  	_ =	shalt  }
0x56: {  	_ =	shalt  }
0x57: {  	_ =	shalt  }
0x58: {  	_ =	shalt  }
0x59: {  	_ =	shalt  }
0x5a: {  	_ =	shalt  }
0x5b: {  	_ =	shalt  }
0x5c: {  	_ =	shalt  }
0x5d: {  	_ =	shalt  }
0x5e: {  	_ =	shalt  }
0x5f: {  	_ =	shalt  }
0x60: {  	_ =	shalt  }
0x61: {  	_ =	shalt  }
0x62: {  	_ =	shalt  }
0x63: {  	_ =	shalt  }
0x64: {  	_ =	shalt  }
0x65: {  	_ =	shalt  }
0x66: {  	_ =	shalt  }
0x67: {  	_ =	shalt  }
0x68: {  	_ =	shalt  }
0x69: {  	_ =	shalt  }
0x6a: {  	_ =	shalt  }
0x6b: {  	_ =	shalt  }
0x6c: {  	_ =	shalt  }
0x6d: {  	_ =	shalt  }
0x6e: {  	_ =	shalt  }
0x6f: {  	_ =	shalt  }
0x70: {  	_ =	shalt  }
0x71: {  	_ =	shalt  }
0x72: {  	_ =	shalt  }
0x73: {  	_ =	shalt  }
0x74: {  	_ =	shalt  }
0x75: {  	_ =	shalt  }
0x76: {  	_ =	shalt  }
0x77: {  	_ =	shalt  }
0x78: {  	_ =	shalt  }
0x79: {  	_ =	shalt  }
0x7a: {  	_ =	shalt  }
0x7b: {  	_ =	shalt  }
0x7c: {  	_ =	shalt  }
0x7d: {  	_ =	shalt  }
0x7e: {  	_ =	shalt  }
0x7f: {  	_ =	shalt  }
0x80: {  	_ =	shalt  }
0x81: {  	_ =	shalt  }
0x82: {  	_ =	shalt  }
0x83: {  	_ =	shalt  }
0x84: {  	_ =	shalt  }
0x85: {  	_ =	shalt  }
0x86: {  	_ =	shalt  }
0x87: {  	_ =	shalt  }
.Lfunc_end0:
.L_simem_size_0:
called_computation.2_lowered:
.L_overlay_start_0:
0x88: {  	s2 =	sld [smem:$0x3FD9]  }
0x89: {  	s3 =	sld [smem:$0x3FFE];
	_ =	sdelay $0x1  }
0x8a: {  	s1 =	srdreg.scid  }
0x8b: {  	s0 =	sand.u32 $0x1, s1  }
0x8c: {  	s17 =	sshll.u32 s0, $0xA;
	s2 =	sadd.s32 s3, s2  }
0x8d: {  	s2 =	sadd.s32 s2, s17  }
0x8e: {  	[smem:$0x3FC4] =	sst s2  }
0x8f: {  	_ = 	snop  }
0x90: {  	s2 =	sld [smem:$0x3FD0];
	(tm) =	ssettm $0x1  }
0x91: {  	s18 =	sld [smem:$0x3FFB];
	_ =	sdelay $0x3  }
0x92: {  	_ =	strace s18  }
0x93: {  	s3 =	sld [smem:$0x3FFC];
	_ =	sdelay $0x3  }
0x94: {  	_ =	strace s3  }
0x95: {  	s3 =	sld [smem:$0x3FFD];
	_ =	sdelay $0x3  }
0x96: {  	_ =	strace s3  }
0x97: {  	_ =	strace $0x8FFFFFFF  }
0x98: {  	s19 =	sld [smem:$0x3FDB];
	_ =	sdelay $0x1  }
0x99: {  	s4 =	simm.s32 $_scs_section_size  }
0x9a: {  	s5 =	simm.s32 $_size__tile_overlayer_lowered;
	s6 =	simm.s32 $_tile_overlayer_lowered  }
0x9b: {  	s22 =	simm.s32 $0x1BFF;
	s21 =	sshll.u32 s6, $0x1;
	s3 =	sadd.s32 s4, s19  }
0x9c: {  	s7 =	simm.s32 $0x0;
	s20 =	sshll.u32 s5, $0x1;
	s5 =	sadd.s32 s21, s3  }
0x9d: {  	[timem:s7], [sflag:s22] =	dma.local [hbm:s5], s20  }
0x9e: {  	_ =	swait.ge [sflag:s22], s20  }
0x9f: {  	s4 =	ssub.s32 $0x0, s20;
	[sflag:s22] =	ssyncset.done $0x0  }
0xa0: {  	[sflag:s22] =	ssyncadd.s32 s4;
	_ =	sdelay $0x1  }
0xa1: {  	s23 =	simm.s32 $0x1B8B  }
0xa2: {  	_ =	swait.ge [sflag:s23], $0x1  }
0xa3: {  	[sflag:s23] =	ssyncset.done $0x0  }
0xa4: {  	s25 =	simm.s32 $0x1B8E;
	s24 =	sld [smem:$0x3FFE];
	[sflag:s23] =	ssyncadd.s32 $0xFFFFFFFF  }
0xa5: {  	s26 =	simm.s32 $execute0_lowered;
	[smem:$0x3FD2] =	sst s25  }
0xa6: {  	s5 =	sshll.u32 s26, $0x1;
	_ =	strace $0x8000004C;
	[dreg:$0x1] =	wrdreg $0xFFFFFFFF  }
0xa7: {  	s28 =	simm.s32 $_size_execute0_lowered;
	s3 =	sadd.s32 s3, s5;
	[dreg:$0x0] =	wrdreg $0x0  }
0xa8: {  	s5 =	sshll.u32 s28, $0x1;
	[dreg:$0x2] =	wrdreg s3  }
0xa9: {  	[dreg:$0x3] =	wrdreg s5  }
0xaa: {  	[dreg:$0x4] =	wrdreg $0xC0  }
0xab: {  	_ =	task [dreg:s7], $0x5FFFF  }
0xac: {  	[dreg:$0x1] =	wrdreg $0xFFFFFFFF  }
0xad: {  	[dreg:$0x0] =	wrdreg $0x60  }
0xae: {  	[dreg:$0x2] =	wrdreg s24  }
0xaf: {  	[dreg:$0x3] =	wrdreg s2  }
0xb0: {  	[dreg:$0x4] =	wrdreg $0xA9000  }
0xb1: {  	[dreg:$0x5] =	wrdreg $0x9  }
0xb2: {  	_ =	task.clear_ibuf [dreg:s7], $0x6FFFF;
	_ =	strace $0x9000004C  }
0xb3: {  	s29 =	simm.s32 $0x9;
	_ =	strace $0x8000004E  }
0xb4: {  	_ =	swait.ge [sflag:s29], $0x1  }
0xb5: {  	[sflag:s29] =	ssyncadd.s32 $0xFFFFFFFF  }
0xb6: {  	_ =	strace $0x9000004E  }
0xb7: {  	_ =	sfence  }
0xb8: {  	s30 =	sld [smem:$0x0];
	_ =	sdelay $0x2  }
0xb9: {  	s31 =	sshll.u32 s1, $0xD;
	s1 =	sshrl.u32 s1, $0x2  }
0xba: {  	s3 =	sand.u32 $0x4000, s31;
	s1 =	sadd.s32 s1, s30  }
0xbb: {  	s0 =	sor.u32 s3, s0;
	s1 =	sshll.u32 s1, $0x11  }
0xbc: {  	s0 =	sor.u32 s1, s0  }
0xbd: {  	s0 =	sadd.s32 $0x8F2B, s0  }
0xbe: {  	[sflag:s0] =	ssyncadd.remote.s32 $0x1  }
0xbf: {  	_ =	sfence.sel $0xFFFF  }
0xc0: {  	[dreg:$0x0] =	wrdreg $0xFFFFFFFF;
	(pc) =	sbr.abs _section_cstart, $3  }
0xc1: {  	[dreg:$0x1] =	wrdreg $0xFFFFFFFF  }
0xc2: {  	_ =	task.clear_ibuf [dreg:s7], $0x2FFFF;
	_ =	strace $0x9FFFFFFF  }
0xc3: {  	(tm) =	ssettm $0x7FFFFFFF  }
tec
execute0_lowered:
.L_overlay_start_1:
0x0: {  	(tag) =	ssettag $0x1  }
0x1: {  	s6 =	rddreg [dreg:$0x0]  }
0x2: {  	s9 =	rddreg [dreg:$0x1]  }
0x3: {  	s2 =	rddreg [dreg:$0x2];
	s1 =	stileid.u32  }
0x4: {  	s4 =	srdreg.scid;
	s3 =	simm.s32 $0x0;
	s15 =	simm.s32 $0x3  }
0x5: {  	s16 =	simm.s32 $0x2800;
	s17 =	simm.s32 $0x80;
	s18 =	simm.s32 $0x2900  }
0x6: {  	s19 =	simm.s32 $0x6900;
	s20 =	simm.s32 $0x2880;
	s21 =	simm.s32 $0x1  }
0x7: {  	s22 =	simm.s32 $0x2;
	s23 =	simm.s32 $0x0;
	s7 =	smul.u32 $0x14000, s1  }
0x8: {  	s8 =	sand.u32 $0x1, s4;
	[smem:$0x7FF] =	sst s3;
	s24 =	smul.u32 $0x50000, s1  }
0x9: {  	s4 =	sadd.s32 $0xFCE00, s6;
	s5 =	sadd.s32 $0x2600, s6;
	s10 =	smul.u32 $0x140000, s8  }
0xa: {  	s12 =	sshll.u32 s1, $0x1;
	s30 =	sshll.u32 s1, $0x6;
	_ =	strace $0x8000004D  }
0xb: {  	s25 =	ssub.s32 $0x2, s8;
	s11 =	sshrl.u32 s7, $0x3;
	s7 =	sadd.s32 s7, s10  }
0xc: {  	s26 =	sor.u32 s8, s12;
	s28 =	sshrl.u32 s25, $0x1;
	s7 =	sshrl.u32 s7, $0x3  }
0xd: {  	s11 =	sadd.s32 s11, s6;
	s13 =	sadd.s32 s7, s6;
	s6 =	smul.u32 $0x2800, s26  }
0xe: {  	s8 =	sor.u32 $0x1C03, s30;
	s10 =	sshrl.u32 s24, $0x2;
	s29 =	ssub.s32 s25, s28  }
0xf: {  	s14 =	sadd.s32 s10, s2;
	s12 =	smax.u32 s29, $0x1;
	s31 =	sshrl.u32 s6, $0x3  }
0x10: {  	s7 =	sadd.s32 $0xCE00, s11;
	s14 =	sshrl.u32 s14, $0x3;
	s10 =	sadd.s32 s5, s31  }
0x11: {  	s11 =	sadd.s32 $0x124E00, s13;
	s9 =	sadd.s32 s9, s31;
	s13 =	sadd.s32 $0x10, s10  }
.LBB2_1:
0x12: {  	[spmem:s14], [sflag:s8] =	dma.local [hbm:s7], $0x2800  }
0x13: {  	_ =	swait.ge [sflag:s15], $0x2800  }
0x14: {  	[sflag:s15] =	ssyncset.done $0x0  }
0x15: {  	[sflag:s15] =	ssyncadd.s32 $0xFFFFD800  }
0x16: {  	[tilespmem:s3], [sflag:$0x3] =	stream.linear.gather [hbm4b:s9+s3], $0x2780, $0x38;
	[tilespmem:$0x1E900] =	vst v63  }
0x17: {  	_ =	swait.ge [sflag:s15], $0x2780  }
0x18: {  	[sflag:s15] =	ssyncset.done $0x0  }
0x19: {  	[sflag:s15] =	ssyncadd.s32 $0xFFFFD880  }
0x1a: {  	[tilespmem:s16], [sflag:$0x3] =	stream.linear.gather [hbm4b:s10+s3], $0x80, $0x38;
	[tilespmem:$0x1E900] =	vst v63  }
0x1b: {  	_ =	swait.ge [sflag:s15], $0x80  }
0x1c: {  	[sflag:s15] =	ssyncset.done $0x0  }
0x1d: {  	[sflag:s15] =	ssyncadd.s32 $0xFFFFFF80  }
0x1e: {  	[bflag:$0x0] =	sbarrier.arrive $0xFFFF  }
0x1f: {  	[tilespmem:s18], [sflag:$0x1] =	stream.indirect.gather [hbm4b:s4+s17], $0x80, s3, s17, $0xb8;
	[tilespmem:$0x1E900] =	vst v63  }
0x20: {  	_ =	swait.ge [sflag:s21], $0x4000  }
0x21: {  	[sflag:s21] =	ssyncset.done $0x0  }
0x22: {  	[sflag:s21] =	ssyncadd.s32 $0xFFFFC000  }
0x23: {  	[tilespmem:s19], [sflag:$0x1] =	stream.indirect.gather [hbm4b:s4+s17], $0x80, s17, s17, $0xb8;
	[tilespmem:$0x1E900] =	vst v63  }
0x24: {  	_ = 	snop  }
0x25: {  	[tilespmem:s20], [sflag:$0x2] =	stream.linear.gather [hbm4b:s13+s3], $0x80, $0x38;
	[tilespmem:$0x1E900] =	vst v63  }
0x26: {  	_ = 	snop  }
0x27: {  	[spmem:s2] =	stream.indirect.scatter.add.f32 [tilespmem:s18], [sflag:$0x3], $0x80, s16, s17, $0xb8;
	[tilespmem:$0x1E900] =	vst v63  }
0x28: {  	_ =	swait.ge [sflag:s15], $0x4000  }
0x29: {  	[sflag:s15] =	ssyncset.done $0x0  }
0x2a: {  	s25 =	sand.u32 $0x1, s21;
	s24 =	simm.s32 $0x100;
	[sflag:s15] =	ssyncadd.s32 $0xFFFFC000  }
0x2b: {  	s26 =	sshll.u32 s25, $0xE;
	s29 =	sand.u32 $0x7C00, s24;
	_ =	swait.ge [sflag:s21], $0x4000  }
0x2c: {  	s30 =	sand.u32 $0x380, s24;
	s28 =	sxor.u32 $0x4000, s26;
	[sflag:s21] =	ssyncset.done $0x0  }
0x2d: {  	s29 =	sadd.s32 s6, s29;
	s28 =	sor.u32 $0x2900, s28;
	[sflag:s21] =	ssyncadd.s32 $0xFFFFC000  }
0x2e: {  	[tilespmem:s28], [sflag:$0x1] =	stream.indirect.gather [hbm4b:s4+s17], $0x80, s24, s17, $0xb8;
	[tilespmem:$0x1E900] =	vst v63  }
0x2f: {  	s25 =	sshll.u32 s25, $0x7;
	s28 =	sor.u32 s30, s29;
	_ =	swait.ge [sflag:s22], $0x80  }
0x30: {  	s31 =	sxor.u32 $0x80, s25;
	s28 =	sshrl.u32 s28, $0x3;
	[sflag:s22] =	ssyncset.done $0x0  }
0x31: {  	s29 =	sor.u32 $0x2800, s31;
	s28 =	sadd.s32 s5, s28;
	[sflag:s22] =	ssyncadd.s32 $0xFFFFFF80  }
0x32: {  	[tilespmem:s29], [sflag:$0x2] =	stream.linear.gather [hbm4b:s28+s3], $0x80, $0x38;
	[tilespmem:$0x1E900] =	vst v63  }
0x33: {  	s26 =	sor.u32 $0x2900, s26;
	s25 =	sor.u32 $0x2800, s25  }
0x34: {  	[spmem:s2] =	stream.indirect.scatter.add.f32 [tilespmem:s26], [sflag:$0x3], $0x80, s25, s17, $0xb8;
	[tilespmem:$0x1E900] =	vst v63  }
0x35: {  	s25 =	simm.s32 $0x2;
	s26 =	simm.s32 $0x100;
	_ =	swait.ge [sflag:s15], $0x4000  }
.LBB2_2:
0x36: {  	[sflag:s15] =	ssyncset.done $0x0  }
0x37: {  	s24 =	sadd.s32 $0x80, s24;
	s26 =	sadd.s32 $0x80, s26;
	s28 =	sand.u32 $0x1, s25  }
0x38: {  	p0 =	sne.s32 s25, $0x4D;
	s25 =	sadd.s32 $0x1, s25;
	[sflag:s15] =	ssyncadd.s32 $0xFFFFC000  }
0x39: {  	s29 =	sshll.u32 s28, $0xE;
	s28 =	sshll.u32 s28, $0x7;
	_ =	swait.ge [sflag:s21], $0x4000  }
0x3a: {  	s31 =	sand.u32 $0x380, s24;
	s30 =	sxor.u32 $0x4000, s29;
	[sflag:s21] =	ssyncset.done $0x0  }
0x3b: {  	s0 =	sand.u32 $0x7C00, s24;
	s30 =	sor.u32 $0x2900, s30;
	[sflag:s21] =	ssyncadd.s32 $0xFFFFC000  }
0x3c: {  	[tilespmem:s30], [sflag:$0x1] =	stream.indirect.gather [hbm4b:s4+s17], $0x80, s26, s17, $0xb8;
	[tilespmem:$0x1E900] =	vst v63  }
0x3d: {  	s0 =	sadd.s32 s6, s0;
	s30 =	sxor.u32 $0x80, s28;
	_ =	swait.ge [sflag:s22], $0x80  }
0x3e: {  	s29 =	sor.u32 $0x2900, s29;
	s0 =	sor.u32 s31, s0;
	[sflag:s22] =	ssyncset.done $0x0  }
0x3f: {  	s0 =	sshrl.u32 s0, $0x3;
	s30 =	sor.u32 $0x2800, s30;
	[sflag:s22] =	ssyncadd.s32 $0xFFFFFF80  }
.Ltmp0:
0x40: {  	s0 =	sadd.s32 s5, s0;
	s28 =	sor.u32 $0x2800, s28;
	(pc) =	sbr.rel @p0 .LBB2_2-.Ltmp0, $4  }
0x41: {  	[tilespmem:s30], [sflag:$0x2] =	stream.linear.gather [hbm4b:s0+s3], $0x80, $0x38;
	[tilespmem:$0x1E900] =	vst v63  }
0x42: {  	_ = 	snop  }
0x43: {  	[spmem:s2] =	stream.indirect.scatter.add.f32 [tilespmem:s29], [sflag:$0x3], $0x80, s28, s17, $0xb8;
	[tilespmem:$0x1E900] =	vst v63  }
0x44: {  	_ =	swait.ge [sflag:s15], $0x4000  }
0x45: {  	[sflag:s15] =	ssyncset.done $0x0  }
0x46: {  	[sflag:s15] =	ssyncadd.s32 $0xFFFFC000  }
0x47: {  	_ =	swait.ge [sflag:s21], $0x4000  }
0x48: {  	[sflag:s21] =	ssyncset.done $0x0  }
0x49: {  	[sflag:s21] =	ssyncadd.s32 $0xFFFFC000  }
0x4a: {  	_ =	swait.ge [sflag:s22], $0x80  }
0x4b: {  	[sflag:s22] =	ssyncset.done $0x0  }
0x4c: {  	[sflag:s22] =	ssyncadd.s32 $0xFFFFFF80  }
0x4d: {  	[spmem:s2] =	stream.indirect.scatter.add.f32 [tilespmem:s18], [sflag:$0x3], $0x80, s16, s17, $0xb8;
	[tilespmem:$0x1E900] =	vst v63  }
0x4e: {  	_ =	swait.ge [sflag:s15], $0x4000  }
0x4f: {  	s23 =	sadd.s32 $0x1, s23;
	[sflag:s15] =	ssyncset.done $0x0  }
0x50: {  	p0 =	sne.s32 s23, s12;
	[sflag:s15] =	ssyncadd.s32 $0xFFFFC000  }
.Ltmp1:
0x51: {  	[bflag:$0x0] =	sbarrier.arrive $0xFFFF;
	(pc) =	sbr.rel @p0 .LBB2_1-.Ltmp1, $4  }
0x52: {  	[hbm:s11], [sflag:s8] =	dma.local [spmem:s14], $0x2800  }
0x53: {  	_ =	swait.ge [sflag:s15], $0x2800  }
0x54: {  	[sflag:s15] =	ssyncset.done $0x0  }
0x55: {  	[sflag:s15] =	ssyncadd.s32 $0xFFFFD800  }
0x56: {  	_ =	sfence.sel $0x180000  }
0x57: {  	[bflag:$0x0] =	sbarrier.arrive $0xFFFF  }
0x58: {  	_ =	strace $0x9000004D  }
0x59: {  	[bflag:$0x2] =	sbarrier.arrive $0xFFFF  }
0x5a: {  	p0 =	sne.s32 s1, $0x0;
	s0 =	rddreg [dreg:$0x3]  }
0x5b: {  	s0 =	sadd.s32 @!p0 $0x100000, s0  }
0x5c: {  	[sflag:s0] =	ssyncadd.tile.s32 @!p0 $0x1;
	_ =	shalt  }
.Lfunc_end2:
_tile_overlayer_lowered:
.L_overlay_start_2:
0x5d: {  	(tag) =	ssettag $0x2  }
0x5e: {  	s0 =	rddreg [dreg:$0x0];
	s2 =	stileid.u32  }
0x5f: {  	s1 =	rddreg [dreg:$0x1];
	p0 =	sne.s32 s2, $0x0  }
0x60: {  	s3 =	rddreg [dreg:$0x2];
	[bflag:$0x3] =	sbarrier.arrive $0xFFFF;
	s2 =	simm.s32 @!p0 $0x1C03  }
0x61: {  	[timem:s3], [sflag:s2] =	dma.local @!p0 [hbm:s0], s1  }
0x62: {  	s0 =	simm.s32 @!p0 $0x3  }
0x63: {  	_ =	swait.ge @!p0 [sflag:s0], s1  }
0x64: {  	s1 =	ssub.s32 @!p0 $0x0, s1;
	[sflag:s0] =	ssyncset.done @!p0 $0x0  }
0x65: {  	[sflag:s0] =	ssyncadd.s32 @!p0 s1  }
0x66: {  	[bflag:$0x3] =	sbarrier.arrive $0xFFFF  }
0x67: {  	_ =	shalt  }

// kernel: kernel.19.cloned.1.call-start
scs
__scs_entry_jumppad:
0x0: {  	(pc) =	sbr.rel $0x88, $3  }
0x1: {  	(tag) =	ssettag $0x0;
	lr =	simm.s32 $0x1  }
0x2: {  	[smem:$0x3F9D] =	sst lr;
	_ =	strace $0xD0000000  }
0x3: {  	_ = 	snop  }
0x4: {  	_ = 	snop  }
0x5: {  	_ = 	snop  }
0x6: {  	_ = 	snop  }
0x7: {  	_ = 	snop  }
__scs_overlays_trampoline_lowered:
0x8: {  	[smem:$0x3FAC] =	sst s0  }
0x9: {  	[smem:$0x3FAD] =	sst s1  }
0xa: {  	[smem:$0x3FAE] =	sst s2  }
0xb: {  	[smem:$0x3FAF] =	sst s3  }
0xc: {  	[smem:$0x3FB0] =	sst s4  }
0xd: {  	[smem:$0x3FB1] =	sst s5  }
0xe: {  	[smem:$0x3FB2] =	sst s6  }
0xf: {  	[smem:$0x3FB3] =	sst s7  }
0x10: {  	[smem:$0x3FB4] =	sst s8  }
0x11: {  	[smem:$0x3FB5] =	sst s9;
	s0 =	simm.s32 @!p0 $0x0  }
0x12: {  	s1 =	sld [smem:$0x3F9B];
	s0 =	simm.s32 @p0 $0x1  }
0x13: {  	[smem:$0x3FB6] =	sst s0;
	s0 =	simm.s32 @!p1 $0x0  }
0x14: {  	s2 =	sld [smem:$0x3F9A];
	s0 =	simm.s32 @p1 $0x1  }
0x15: {  	[smem:$0x3FB7] =	sst s0;
	s0 =	simm.s32 @!p2 $0x0  }
0x16: {  	s3 =	sld [smem:$0x3FDB];
	s0 =	simm.s32 @p2 $0x1  }
0x17: {  	s4 =	simm.s32 $0x1BF5;
	[smem:$0x3FB9] =	sst s0  }
0x18: {  	s0 =	sld [smem:$0x3F9C];
	_ =	swait.ge [sflag:s4], $0x0  }
0x19: {  	s7 =	sld [smem:$0x3F9D]  }
0x1a: {  	s8 =	sadd.s32 $0xFFFFE003, lr  }
0x1b: {  	s9 =	sadd.s32 $0xFFFFFEF7, lr;
	s5 =	simm.s32 $0xFFFFFFFF;
	p2 =	slt.u32 s8, $0xFFFFF086  }
0x1c: {  	p1 =	slt.u32 s9, $0xF7A;
	s5 =	simm.s32 @!p2 $0x0  }
0x1d: {  	s5 =	simm.s32 @p1 $0x1;
	p0 =	seq.s32 s7, s2  }
0x1e: {  	s7 =	smul.u32 @!p0 $0xF7A, s2;
	p2 =	seq.s32 @!p0 s5, $0x0  }
0x1f: {  	s9 =	smul.u32 $0xF7A, s1;
	s8 =	simm.s32 @!p0 $0x1BF5;
	p2 =	por !p2, p0  }
0x20: {  	[sflag:s8] =	ssyncset.s32 @!p0 $0xFFFFF086;
	s6 =	sadd.s32 @!p0 s3, s7;
	s7 =	simm.s32 @!p0 $0x108  }
0x21: {  	s3 =	sadd.s32 s3, s9;
	s6 =	sadd.s32 @!p0 $0x88, s6;
	s7 =	simm.s32 @p2 $0x1082  }
0x22: {  	[simem:s7], [sflag:s8] =	dma.local @!p0 [hbm:s6], $0xF7A  }
0x23: {  	s9 =	sor.u32 $0xD0000000, s2;
	s6 =	simm.s32 $0x108;
	_ =	swait.ge @!p0 [sflag:s8], $0x0  }
0x24: {  	s3 =	sadd.s32 $0x88, s3;
	s6 =	simm.s32 @!p1 $0x1082;
	[sflag:s4] =	ssyncset.s32 $0xFFFFF086  }
0x25: {  	[simem:s6], [sflag:s4] =	dma.local [hbm:s3], $0xF7A  }
0x26: {  	[smem:$0x3F9D] =	sst s1;
	(tag) =	ssettag s2;
	_ =	strace s9  }
0x27: {  	s1 =	sld [smem:$0x3FAD]  }
0x28: {  	s2 =	sld [smem:$0x3FAE]  }
0x29: {  	s4 =	sld [smem:$0x3FB0]  }
0x2a: {  	p0 =	seq.s32 s5, $0x0;
	s5 =	sld [smem:$0x3FB1]  }
0x2b: {  	s6 =	sld [smem:$0x3FB2]  }
0x2c: {  	s7 =	sld [smem:$0x3FB3]  }
0x2d: {  	s3 =	simm.s32 $0x108;
	s8 =	sld [smem:$0x3FB4]  }
0x2e: {  	s3 =	simm.s32 @!p0 $0x1082;
	s9 =	sld [smem:$0x3FB5]  }
0x2f: {  	lr =	sadd.s32 s0, s3;
	s0 =	sld [smem:$0x3FAC]  }
0x30: {  	s3 =	sld [smem:$0x3FAF]  }
0x31: {  	[smem:$0x3FB8] =	sst s10  }
0x32: {  	s10 =	sld [smem:$0x3FB6];
	_ =	sdelay $0x3  }
0x33: {  	p0 =	seq.s32 s10, $0x1;
	s10 =	sld [smem:$0x3FB8];
	_ =	sdelay $0x3  }
0x34: {  	[smem:$0x3FB8] =	sst s10  }
0x35: {  	s10 =	sld [smem:$0x3FB7];
	_ =	sdelay $0x3  }
0x36: {  	p1 =	seq.s32 s10, $0x1;
	s10 =	sld [smem:$0x3FB8];
	_ =	sdelay $0x3  }
0x37: {  	[smem:$0x3FB8] =	sst s10  }
0x38: {  	s10 =	sld [smem:$0x3FB9]  }
0x39: {  	_ = 	snop;
	(pc) =	sbr.ind lr, $3  }
0x3a: {  	_ = 	snop  }
0x3b: {  	_ = 	snop  }
0x3c: {  	p2 =	seq.s32 s10, $0x1;
	s10 =	sld [smem:$0x3FB8]  }
0x3d: {  	_ =	shalt  }
0x3e: {  	_ =	shalt  }
0x3f: {  	_ =	shalt  }
0x40: {  	_ =	shalt  }
0x41: {  	_ =	shalt  }
0x42: {  	_ =	shalt  }
0x43: {  	_ =	shalt  }
0x44: {  	_ =	shalt  }
0x45: {  	_ =	shalt  }
0x46: {  	_ =	shalt  }
0x47: {  	_ =	shalt  }
0x48: {  	_ =	shalt  }
0x49: {  	_ =	shalt  }
0x4a: {  	_ =	shalt  }
0x4b: {  	_ =	shalt  }
0x4c: {  	_ =	shalt  }
0x4d: {  	_ =	shalt  }
0x4e: {  	_ =	shalt  }
0x4f: {  	_ =	shalt  }
0x50: {  	_ =	shalt  }
0x51: {  	_ =	shalt  }
0x52: {  	_ =	shalt  }
0x53: {  	_ =	shalt  }
0x54: {  	_ =	shalt  }
0x55: {  	_ =	shalt  }
0x56: {  	_ =	shalt  }
0x57: {  	_ =	shalt  }
0x58: {  	_ =	shalt  }
0x59: {  	_ =	shalt  }
0x5a: {  	_ =	shalt  }
0x5b: {  	_ =	shalt  }
0x5c: {  	_ =	shalt  }
0x5d: {  	_ =	shalt  }
0x5e: {  	_ =	shalt  }
0x5f: {  	_ =	shalt  }
0x60: {  	_ =	shalt  }
0x61: {  	_ =	shalt  }
0x62: {  	_ =	shalt  }
0x63: {  	_ =	shalt  }
0x64: {  	_ =	shalt  }
0x65: {  	_ =	shalt  }
0x66: {  	_ =	shalt  }
0x67: {  	_ =	shalt  }
0x68: {  	_ =	shalt  }
0x69: {  	_ =	shalt  }
0x6a: {  	_ =	shalt  }
0x6b: {  	_ =	shalt  }
0x6c: {  	_ =	shalt  }
0x6d: {  	_ =	shalt  }
0x6e: {  	_ =	shalt  }
0x6f: {  	_ =	shalt  }
0x70: {  	_ =	shalt  }
0x71: {  	_ =	shalt  }
0x72: {  	_ =	shalt  }
0x73: {  	_ =	shalt  }
0x74: {  	_ =	shalt  }
0x75: {  	_ =	shalt  }
0x76: {  	_ =	shalt  }
0x77: {  	_ =	shalt  }
0x78: {  	_ =	shalt  }
0x79: {  	_ =	shalt  }
0x7a: {  	_ =	shalt  }
0x7b: {  	_ =	shalt  }
0x7c: {  	_ =	shalt  }
0x7d: {  	_ =	shalt  }
0x7e: {  	_ =	shalt  }
0x7f: {  	_ =	shalt  }
0x80: {  	_ =	shalt  }
0x81: {  	_ =	shalt  }
0x82: {  	_ =	shalt  }
0x83: {  	_ =	shalt  }
0x84: {  	_ =	shalt  }
0x85: {  	_ =	shalt  }
0x86: {  	_ =	shalt  }
0x87: {  	_ =	shalt  }
.Lfunc_end0:
.L_simem_size_0:
called_computation.3_lowered:
.L_overlay_start_0:
0x88: {  	s2 =	sld [smem:$0x3FD9]  }
0x89: {  	s3 =	sld [smem:$0x3FFE];
	_ =	sdelay $0x1  }
0x8a: {  	s1 =	srdreg.scid  }
0x8b: {  	s0 =	sand.u32 $0x1, s1  }
0x8c: {  	s17 =	sshll.u32 s0, $0xA;
	s2 =	sadd.s32 s3, s2  }
0x8d: {  	s2 =	sadd.s32 s2, s17  }
0x8e: {  	[smem:$0x3FC4] =	sst s2  }
0x8f: {  	_ = 	snop  }
0x90: {  	s2 =	sld [smem:$0x3FD0];
	(tm) =	ssettm $0x1  }
0x91: {  	s18 =	sld [smem:$0x3FFB];
	_ =	sdelay $0x3  }
0x92: {  	_ =	strace s18  }
0x93: {  	s3 =	sld [smem:$0x3FFC];
	_ =	sdelay $0x3  }
0x94: {  	_ =	strace s3  }
0x95: {  	s3 =	sld [smem:$0x3FFD];
	_ =	sdelay $0x3  }
0x96: {  	_ =	strace s3  }
0x97: {  	_ =	strace $0x8FFFFFFF  }
0x98: {  	s19 =	sld [smem:$0x3FDB];
	_ =	sdelay $0x1  }
0x99: {  	s4 =	simm.s32 $_scs_section_size  }
0x9a: {  	s5 =	simm.s32 $_size__tile_overlayer_lowered;
	s6 =	simm.s32 $_tile_overlayer_lowered  }
0x9b: {  	s22 =	simm.s32 $0x1BFF;
	s21 =	sshll.u32 s6, $0x1;
	s3 =	sadd.s32 s4, s19  }
0x9c: {  	s7 =	simm.s32 $0x0;
	s20 =	sshll.u32 s5, $0x1;
	s5 =	sadd.s32 s21, s3  }
0x9d: {  	[timem:s7], [sflag:s22] =	dma.local [hbm:s5], s20  }
0x9e: {  	_ =	swait.ge [sflag:s22], s20  }
0x9f: {  	s4 =	ssub.s32 $0x0, s20;
	[sflag:s22] =	ssyncset.done $0x0  }
0xa0: {  	[sflag:s22] =	ssyncadd.s32 s4;
	_ =	sdelay $0x1  }
0xa1: {  	s23 =	simm.s32 $0x1B8B  }
0xa2: {  	_ =	swait.ge [sflag:s23], $0x1  }
0xa3: {  	[sflag:s23] =	ssyncset.done $0x0  }
0xa4: {  	s25 =	simm.s32 $0x1B8E;
	s24 =	sld [smem:$0x3FFE];
	[sflag:s23] =	ssyncadd.s32 $0xFFFFFFFF  }
0xa5: {  	s26 =	simm.s32 $execute0_lowered;
	[smem:$0x3FD2] =	sst s25  }
0xa6: {  	s5 =	sshll.u32 s26, $0x1;
	_ =	strace $0x8000004F;
	[dreg:$0x1] =	wrdreg $0xFFFFFFFF  }
0xa7: {  	s28 =	simm.s32 $_size_execute0_lowered;
	s3 =	sadd.s32 s3, s5;
	[dreg:$0x0] =	wrdreg $0x0  }
0xa8: {  	s5 =	sshll.u32 s28, $0x1;
	[dreg:$0x2] =	wrdreg s3  }
0xa9: {  	[dreg:$0x3] =	wrdreg s5  }
0xaa: {  	[dreg:$0x4] =	wrdreg $0xC0  }
0xab: {  	_ =	task [dreg:s7], $0x5FFFF  }
0xac: {  	[dreg:$0x1] =	wrdreg $0xFFFFFFFF  }
0xad: {  	[dreg:$0x0] =	wrdreg $0x60  }
0xae: {  	[dreg:$0x2] =	wrdreg s24  }
0xaf: {  	[dreg:$0x3] =	wrdreg s2  }
0xb0: {  	[dreg:$0x4] =	wrdreg $0xA9000  }
0xb1: {  	[dreg:$0x5] =	wrdreg $0x9  }
0xb2: {  	_ =	task.clear_ibuf [dreg:s7], $0x6FFFF;
	_ =	strace $0x9000004F  }
0xb3: {  	s29 =	simm.s32 $0x9;
	_ =	strace $0x80000051  }
0xb4: {  	_ =	swait.ge [sflag:s29], $0x1  }
0xb5: {  	[sflag:s29] =	ssyncadd.s32 $0xFFFFFFFF  }
0xb6: {  	_ =	strace $0x90000051  }
0xb7: {  	_ =	sfence  }
0xb8: {  	s30 =	sld [smem:$0x0];
	_ =	sdelay $0x2  }
0xb9: {  	s31 =	sshll.u32 s1, $0xD;
	s1 =	sshrl.u32 s1, $0x2  }
0xba: {  	s3 =	sand.u32 $0x4000, s31;
	s1 =	sadd.s32 s1, s30  }
0xbb: {  	s0 =	sor.u32 s3, s0;
	s1 =	sshll.u32 s1, $0x11  }
0xbc: {  	s0 =	sor.u32 s1, s0  }
0xbd: {  	s0 =	sadd.s32 $0x8F2B, s0  }
0xbe: {  	[sflag:s0] =	ssyncadd.remote.s32 $0x1  }
0xbf: {  	_ =	sfence.sel $0xFFFF  }
0xc0: {  	[dreg:$0x0] =	wrdreg $0xFFFFFFFF;
	(pc) =	sbr.abs _section_cstart, $3  }
0xc1: {  	[dreg:$0x1] =	wrdreg $0xFFFFFFFF  }
0xc2: {  	_ =	task.clear_ibuf [dreg:s7], $0x2FFFF;
	_ =	strace $0x9FFFFFFF  }
0xc3: {  	(tm) =	ssettm $0x7FFFFFFF  }
tec
execute0_lowered:
.L_overlay_start_1:
0x0: {  	(tag) =	ssettag $0x1  }
0x1: {  	s6 =	rddreg [dreg:$0x0]  }
0x2: {  	s9 =	rddreg [dreg:$0x1]  }
0x3: {  	s2 =	rddreg [dreg:$0x2];
	s1 =	stileid.u32  }
0x4: {  	s4 =	srdreg.scid;
	s3 =	simm.s32 $0x0;
	s15 =	simm.s32 $0x3  }
0x5: {  	s16 =	simm.s32 $0x2800;
	s17 =	simm.s32 $0x80;
	s18 =	simm.s32 $0x2900  }
0x6: {  	s19 =	simm.s32 $0x6900;
	s20 =	simm.s32 $0x2880;
	s21 =	simm.s32 $0x1  }
0x7: {  	s22 =	simm.s32 $0x2;
	s23 =	simm.s32 $0x0;
	s7 =	smul.u32 $0x14000, s1  }
0x8: {  	s8 =	sand.u32 $0x1, s4;
	[smem:$0x7FF] =	sst s3;
	s24 =	smul.u32 $0x50000, s1  }
0x9: {  	s4 =	sadd.s32 $0xFCE00, s6;
	s5 =	sadd.s32 $0x2600, s6;
	s10 =	smul.u32 $0x140000, s8  }
0xa: {  	s12 =	sshll.u32 s1, $0x1;
	s30 =	sshll.u32 s1, $0x6;
	_ =	strace $0x80000050  }
0xb: {  	s25 =	ssub.s32 $0x2, s8;
	s11 =	sshrl.u32 s7, $0x3;
	s7 =	sadd.s32 s7, s10  }
0xc: {  	s26 =	sor.u32 s8, s12;
	s28 =	sshrl.u32 s25, $0x1;
	s7 =	sshrl.u32 s7, $0x3  }
0xd: {  	s11 =	sadd.s32 s11, s6;
	s13 =	sadd.s32 s7, s6;
	s6 =	smul.u32 $0x2800, s26  }
0xe: {  	s8 =	sor.u32 $0x1C03, s30;
	s10 =	sshrl.u32 s24, $0x2;
	s29 =	ssub.s32 s25, s28  }
0xf: {  	s14 =	sadd.s32 s10, s2;
	s12 =	smax.u32 s29, $0x1;
	s31 =	sshrl.u32 s6, $0x3  }
0x10: {  	s7 =	sadd.s32 $0xCE00, s11;
	s14 =	sshrl.u32 s14, $0x3;
	s10 =	sadd.s32 s5, s31  }
0x11: {  	s11 =	sadd.s32 $0x124E00, s13;
	s9 =	sadd.s32 s9, s31;
	s13 =	sadd.s32 $0x10, s10  }
.LBB2_1:
0x12: {  	[spmem:s14], [sflag:s8] =	dma.local [hbm:s7], $0x2800  }
0x13: {  	_ =	swait.ge [sflag:s15], $0x2800  }
0x14: {  	[sflag:s15] =	ssyncset.done $0x0  }
0x15: {  	[sflag:s15] =	ssyncadd.s32 $0xFFFFD800  }
0x16: {  	[tilespmem:s3], [sflag:$0x3] =	stream.linear.gather [hbm4b:s9+s3], $0x2780, $0x38;
	[tilespmem:$0x1E900] =	vst v63  }
0x17: {  	_ =	swait.ge [sflag:s15], $0x2780  }
0x18: {  	[sflag:s15] =	ssyncset.done $0x0  }
0x19: {  	[sflag:s15] =	ssyncadd.s32 $0xFFFFD880  }
0x1a: {  	[tilespmem:s16], [sflag:$0x3] =	stream.linear.gather [hbm4b:s10+s3], $0x80, $0x38;
	[tilespmem:$0x1E900] =	vst v63  }
0x1b: {  	_ =	swait.ge [sflag:s15], $0x80  }
0x1c: {  	[sflag:s15] =	ssyncset.done $0x0  }
0x1d: {  	[sflag:s15] =	ssyncadd.s32 $0xFFFFFF80  }
0x1e: {  	[bflag:$0x0] =	sbarrier.arrive $0xFFFF  }
0x1f: {  	[tilespmem:s18], [sflag:$0x1] =	stream.indirect.gather [hbm4b:s4+s17], $0x80, s3, s17, $0xb8;
	[tilespmem:$0x1E900] =	vst v63  }
0x20: {  	_ =	swait.ge [sflag:s21], $0x4000  }
0x21: {  	[sflag:s21] =	ssyncset.done $0x0  }
0x22: {  	[sflag:s21] =	ssyncadd.s32 $0xFFFFC000  }
0x23: {  	[tilespmem:s19], [sflag:$0x1] =	stream.indirect.gather [hbm4b:s4+s17], $0x80, s17, s17, $0xb8;
	[tilespmem:$0x1E900] =	vst v63  }
0x24: {  	_ = 	snop  }
0x25: {  	[tilespmem:s20], [sflag:$0x2] =	stream.linear.gather [hbm4b:s13+s3], $0x80, $0x38;
	[tilespmem:$0x1E900] =	vst v63  }
0x26: {  	_ = 	snop  }
0x27: {  	[spmem:s2] =	stream.indirect.scatter.add.f32 [tilespmem:s18], [sflag:$0x3], $0x80, s16, s17, $0xb8;
	[tilespmem:$0x1E900] =	vst v63  }
0x28: {  	_ =	swait.ge [sflag:s15], $0x4000  }
0x29: {  	[sflag:s15] =	ssyncset.done $0x0  }
0x2a: {  	s25 =	sand.u32 $0x1, s21;
	s24 =	simm.s32 $0x100;
	[sflag:s15] =	ssyncadd.s32 $0xFFFFC000  }
0x2b: {  	s26 =	sshll.u32 s25, $0xE;
	s29 =	sand.u32 $0x7C00, s24;
	_ =	swait.ge [sflag:s21], $0x4000  }
0x2c: {  	s30 =	sand.u32 $0x380, s24;
	s28 =	sxor.u32 $0x4000, s26;
	[sflag:s21] =	ssyncset.done $0x0  }
0x2d: {  	s29 =	sadd.s32 s6, s29;
	s28 =	sor.u32 $0x2900, s28;
	[sflag:s21] =	ssyncadd.s32 $0xFFFFC000  }
0x2e: {  	[tilespmem:s28], [sflag:$0x1] =	stream.indirect.gather [hbm4b:s4+s17], $0x80, s24, s17, $0xb8;
	[tilespmem:$0x1E900] =	vst v63  }
0x2f: {  	s25 =	sshll.u32 s25, $0x7;
	s28 =	sor.u32 s30, s29;
	_ =	swait.ge [sflag:s22], $0x80  }
0x30: {  	s31 =	sxor.u32 $0x80, s25;
	s28 =	sshrl.u32 s28, $0x3;
	[sflag:s22] =	ssyncset.done $0x0  }
0x31: {  	s29 =	sor.u32 $0x2800, s31;
	s28 =	sadd.s32 s5, s28;
	[sflag:s22] =	ssyncadd.s32 $0xFFFFFF80  }
0x32: {  	[tilespmem:s29], [sflag:$0x2] =	stream.linear.gather [hbm4b:s28+s3], $0x80, $0x38;
	[tilespmem:$0x1E900] =	vst v63  }
0x33: {  	s26 =	sor.u32 $0x2900, s26;
	s25 =	sor.u32 $0x2800, s25  }
0x34: {  	[spmem:s2] =	stream.indirect.scatter.add.f32 [tilespmem:s26], [sflag:$0x3], $0x80, s25, s17, $0xb8;
	[tilespmem:$0x1E900] =	vst v63  }
0x35: {  	s25 =	simm.s32 $0x2;
	s26 =	simm.s32 $0x100;
	_ =	swait.ge [sflag:s15], $0x4000  }
.LBB2_2:
0x36: {  	[sflag:s15] =	ssyncset.done $0x0  }
0x37: {  	s24 =	sadd.s32 $0x80, s24;
	s26 =	sadd.s32 $0x80, s26;
	s28 =	sand.u32 $0x1, s25  }
0x38: {  	p0 =	sne.s32 s25, $0x4D;
	s25 =	sadd.s32 $0x1, s25;
	[sflag:s15] =	ssyncadd.s32 $0xFFFFC000  }
0x39: {  	s29 =	sshll.u32 s28, $0xE;
	s28 =	sshll.u32 s28, $0x7;
	_ =	swait.ge [sflag:s21], $0x4000  }
0x3a: {  	s31 =	sand.u32 $0x380, s24;
	s30 =	sxor.u32 $0x4000, s29;
	[sflag:s21] =	ssyncset.done $0x0  }
0x3b: {  	s0 =	sand.u32 $0x7C00, s24;
	s30 =	sor.u32 $0x2900, s30;
	[sflag:s21] =	ssyncadd.s32 $0xFFFFC000  }
0x3c: {  	[tilespmem:s30], [sflag:$0x1] =	stream.indirect.gather [hbm4b:s4+s17], $0x80, s26, s17, $0xb8;
	[tilespmem:$0x1E900] =	vst v63  }
0x3d: {  	s0 =	sadd.s32 s6, s0;
	s30 =	sxor.u32 $0x80, s28;
	_ =	swait.ge [sflag:s22], $0x80  }
0x3e: {  	s29 =	sor.u32 $0x2900, s29;
	s0 =	sor.u32 s31, s0;
	[sflag:s22] =	ssyncset.done $0x0  }
0x3f: {  	s0 =	sshrl.u32 s0, $0x3;
	s30 =	sor.u32 $0x2800, s30;
	[sflag:s22] =	ssyncadd.s32 $0xFFFFFF80  }
.Ltmp0:
0x40: {  	s0 =	sadd.s32 s5, s0;
	s28 =	sor.u32 $0x2800, s28;
	(pc) =	sbr.rel @p0 .LBB2_2-.Ltmp0, $4  }
0x41: {  	[tilespmem:s30], [sflag:$0x2] =	stream.linear.gather [hbm4b:s0+s3], $0x80, $0x38;
	[tilespmem:$0x1E900] =	vst v63  }
0x42: {  	_ = 	snop  }
0x43: {  	[spmem:s2] =	stream.indirect.scatter.add.f32 [tilespmem:s29], [sflag:$0x3], $0x80, s28, s17, $0xb8;
	[tilespmem:$0x1E900] =	vst v63  }
0x44: {  	_ =	swait.ge [sflag:s15], $0x4000  }
0x45: {  	[sflag:s15] =	ssyncset.done $0x0  }
0x46: {  	[sflag:s15] =	ssyncadd.s32 $0xFFFFC000  }
0x47: {  	_ =	swait.ge [sflag:s21], $0x4000  }
0x48: {  	[sflag:s21] =	ssyncset.done $0x0  }
0x49: {  	[sflag:s21] =	ssyncadd.s32 $0xFFFFC000  }
0x4a: {  	_ =	swait.ge [sflag:s22], $0x80  }
0x4b: {  	[sflag:s22] =	ssyncset.done $0x0  }
0x4c: {  	[sflag:s22] =	ssyncadd.s32 $0xFFFFFF80  }
0x4d: {  	[spmem:s2] =	stream.indirect.scatter.add.f32 [tilespmem:s18], [sflag:$0x3], $0x80, s16, s17, $0xb8;
	[tilespmem:$0x1E900] =	vst v63  }
0x4e: {  	_ =	swait.ge [sflag:s15], $0x4000  }
0x4f: {  	s23 =	sadd.s32 $0x1, s23;
	[sflag:s15] =	ssyncset.done $0x0  }
0x50: {  	p0 =	sne.s32 s23, s12;
	[sflag:s15] =	ssyncadd.s32 $0xFFFFC000  }
.Ltmp1:
0x51: {  	[bflag:$0x0] =	sbarrier.arrive $0xFFFF;
	(pc) =	sbr.rel @p0 .LBB2_1-.Ltmp1, $4  }
0x52: {  	[hbm:s11], [sflag:s8] =	dma.local [spmem:s14], $0x2800  }
0x53: {  	_ =	swait.ge [sflag:s15], $0x2800  }
0x54: {  	[sflag:s15] =	ssyncset.done $0x0  }
0x55: {  	[sflag:s15] =	ssyncadd.s32 $0xFFFFD800  }
0x56: {  	_ =	sfence.sel $0x180000  }
0x57: {  	[bflag:$0x0] =	sbarrier.arrive $0xFFFF  }
0x58: {  	_ =	strace $0x90000050  }
0x59: {  	[bflag:$0x2] =	sbarrier.arrive $0xFFFF  }
0x5a: {  	p0 =	sne.s32 s1, $0x0;
	s0 =	rddreg [dreg:$0x3]  }
0x5b: {  	s0 =	sadd.s32 @!p0 $0x100000, s0  }
0x5c: {  	[sflag:s0] =	ssyncadd.tile.s32 @!p0 $0x1;
	_ =	shalt  }
.Lfunc_end2:
_tile_overlayer_lowered:
.L_overlay_start_2:
0x5d: {  	(tag) =	ssettag $0x2  }
0x5e: {  	s0 =	rddreg [dreg:$0x0];
	s2 =	stileid.u32  }
0x5f: {  	s1 =	rddreg [dreg:$0x1];
	p0 =	sne.s32 s2, $0x0  }
0x60: {  	s3 =	rddreg [dreg:$0x2];
	[bflag:$0x3] =	sbarrier.arrive $0xFFFF;
	s2 =	simm.s32 @!p0 $0x1C03  }
0x61: {  	[timem:s3], [sflag:s2] =	dma.local @!p0 [hbm:s0], s1  }
0x62: {  	s0 =	simm.s32 @!p0 $0x3  }
0x63: {  	_ =	swait.ge @!p0 [sflag:s0], s1  }
0x64: {  	s1 =	ssub.s32 @!p0 $0x0, s1;
	[sflag:s0] =	ssyncset.done @!p0 $0x0  }
0x65: {  	[sflag:s0] =	ssyncadd.s32 @!p0 s1  }
0x66: {  	[bflag:$0x3] =	sbarrier.arrive $0xFFFF  }
0x67: {  	_ =	shalt  }

</sc_bundles>
